<compile_context>
chip_gen: v7x
topology: tpu7x:2x2x1
jax: 0.10.2.dev20260603
libtpu: 0.0.44.dev20260713+nightly
codegen_flags: <defaults>
</compile_context>

<pallas_src>
import dataclasses

import jax
import jax.numpy as jnp
from jax import lax
from jax.experimental import pallas as pl
from jax.experimental.pallas import tpu as pltpu
from jax.experimental.pallas import tpu_sc as plsc

N = 50000
E = 800000
NS = 16
SH = 9
TP = SH * NS

NC = 2
NSC = 16

GW = 256
G_TOT = 1638400
SW = 128
E_S = 819200
ACC8 = 6400
ACCW = ACC8 // NSC
BE = 2000
BN = 5000

_vmesh = plsc.VectorSubcoreMesh(core_axis_name="core", subcore_axis_name="subcore")


def _gather_body(x_hbm, idx_hbm, out_hbm, ob):
    def body(i_vmem, o_vmem):
        pltpu.sync_copy(x_hbm.at[i_vmem.at[0]], ob)

        @pl.loop(0, GW)
        def _(j):
            o_vmem[j, :] = ob[j, pl.ds(0, NS)]

    pltpu.emit_pipeline(
        body,
        grid=(G_TOT // GW,),
        in_specs=[pl.BlockSpec((1, GW), lambda i: (0, i))],
        out_specs=[pl.BlockSpec((GW, NS), lambda i: (i, 0))],
        core_axis_name=("core", "subcore"),
        dimension_semantics=(pltpu.PARALLEL,),
    )(idx_hbm, out_hbm)


def _sc_gather(x128, idxg):
    k = pl.kernel(
        _gather_body,
        out_type=jax.ShapeDtypeStruct((G_TOT, NS), jnp.float32),
        mesh=_vmesh,
        scratch_types=[pltpu.VMEM((GW, 128), jnp.float32)],
    )
    return k(x128, idxg)


def _dense_body(ea_ref, xs_ref, xd_ref, sh_ref, dc_ref, w1_ref, b1_ref,
                w2_ref, b2_ref, wo_ref, bo_ref, msg_ref):
    xs = xs_ref[...]
    sh = sh_ref[...]
    ef = jnp.concatenate([ea_ref[...], xs, xd_ref[...]], axis=1)
    h = jnp.dot(ef, w1_ref[...], preferred_element_type=jnp.float32)
    h = jax.nn.relu(h + b1_ref[...])
    tpw = jnp.dot(h, w2_ref[...], preferred_element_type=jnp.float32)
    tpw = tpw + b2_ref[...]
    u = jnp.concatenate(
        [xs * sh[:, s:s + 1] * tpw[:, s * NS:(s + 1) * NS] for s in range(SH)],
        axis=1)
    msg = jnp.dot(u, wo_ref[...], preferred_element_type=jnp.float32)
    deg_scale = (float(N) / float(E)) ** 0.5
    msg = (msg + bo_ref[...]) * deg_scale
    k1 = dc_ref[...][:, :1]
    li = lax.broadcasted_iota(jnp.int32, (BE, 128), 1)
    rel = li - k1
    mask = (rel >= 0) & (rel < NS)
    m8 = jnp.concatenate([msg] * 8, axis=1)
    msg_ref[...] = jnp.where(mask, m8, 0.0)


def _tc_dense(gathered, edge_attr, edge_sh, dcol, W1, b1, W2, b2, Wout, bout):
    nblk = E // BE
    full = lambda shape: pl.BlockSpec(shape, lambda i: (0, 0))
    return pl.pallas_call(
        _dense_body,
        grid=(nblk,),
        in_specs=[
            pl.BlockSpec((BE, NS), lambda i: (i, 0)),
            pl.BlockSpec((BE, NS), lambda i: (i, 0)),
            pl.BlockSpec((BE, NS), lambda i: (i + nblk, 0)),
            pl.BlockSpec((BE, SH), lambda i: (i, 0)),
            pl.BlockSpec((BE, NS), lambda i: (i, 0)),
            full((3 * NS, 3 * NS)),
            full((1, 3 * NS)),
            full((3 * NS, TP)),
            full((1, TP)),
            full((TP, NS)),
            full((1, NS)),
        ],
        out_specs=pl.BlockSpec((BE, 128), lambda i: (i, 0)),
        out_shape=jax.ShapeDtypeStruct((E_S, 128), jnp.float32),
    )(edge_attr, gathered, gathered, edge_sh, dcol, W1, b1.reshape(1, -1), W2,
      b2.reshape(1, -1), Wout, bout.reshape(1, -1))


def _scatter_body(msg_hbm, idx_hbm, out_hbm, acc, zbuf):
    sid = lax.axis_index("subcore")
    cid = lax.axis_index("core")

    @pl.loop(0, SW)
    def _(j):
        @pl.loop(0, 8)
        def _(q):
            zbuf[j, pl.ds(q * NS, NS)] = jnp.zeros((NS,), jnp.float32)

    for z in range(ACCW // 80):
        pltpu.sync_copy(zbuf.at[pl.ds(0, 80)],
                        acc.at[pl.ds(sid * ACCW + z * 80, 80)])
    plsc.subcore_barrier()

    def body(m_vmem, i_vmem):
        pltpu.sync_copy(m_vmem, acc.at[i_vmem.at[0]], add=True)

    pltpu.emit_pipeline(
        body,
        grid=(E_S // SW,),
        in_specs=[
            pl.BlockSpec((SW, 128), lambda i: (i, 0)),
            pl.BlockSpec((1, SW), lambda i: (0, i)),
        ],
        out_specs=[],
        core_axis_name=("core", "subcore"),
        dimension_semantics=(pltpu.PARALLEL,),
    )(msg_hbm, idx_hbm)

    plsc.subcore_barrier()
    pltpu.sync_copy(acc.at[pl.ds(sid * ACCW, ACCW)],
                    out_hbm.at[cid, pl.ds(sid * ACCW, ACCW)])


def _sc_scatter(msg, idxs8):
    k = pl.kernel(
        _scatter_body,
        out_type=jax.ShapeDtypeStruct((NC, ACC8, 128), jnp.float32),
        mesh=_vmesh,
        scratch_types=[
            pltpu.VMEM_SHARED((ACC8, 128), jnp.float32),
            pltpu.VMEM((SW, 128), jnp.float32),
        ],
    )
    return k(msg, idxs8)


def _combine_body(x_ref, p0_ref, p1_ref, o_ref):
    o_ref[...] = x_ref[...] + p0_ref[0] + p1_ref[0]


def _tc_combine(x, pu):
    return pl.pallas_call(
        _combine_body,
        grid=(N // BN,),
        in_specs=[
            pl.BlockSpec((BN, NS), lambda i: (i, 0)),
            pl.BlockSpec((1, BN, NS), lambda i: (0, i, 0)),
            pl.BlockSpec((1, BN, NS), lambda i: (1, i, 0)),
        ],
        out_specs=pl.BlockSpec((BN, NS), lambda i: (i, 0)),
        out_shape=jax.ShapeDtypeStruct((N, NS), jnp.float32),
    )(x, pu, pu)


@jax.jit
def kernel(x, edge_index, edge_attr, edge_sh, W1, b1, W2, b2, Wout, bout):
    src = edge_index[0]
    dst = edge_index[1]
    x128 = jnp.pad(x, ((0, 0), (0, 128 - NS)))
    idxg = jnp.concatenate(
        [src, dst, jnp.zeros((G_TOT - 2 * E,), jnp.int32)]).reshape(1, G_TOT)
    dst_pad = jnp.concatenate([dst, jnp.full((E_S - E,), 8 * 6250, jnp.int32)])
    idxs8 = (dst_pad // 8).reshape(1, E_S)
    dcol = jnp.broadcast_to(((dst_pad % 8) * NS)[:, None], (E_S, NS))
    gathered = _sc_gather(x128, idxg)
    msg = _tc_dense(gathered, edge_attr, edge_sh, dcol, W1, b1, W2, b2, Wout,
                    bout)
    partials = _sc_scatter(msg, idxs8)
    pu = partials.reshape(NC, ACC8 * 8, NS)
    return _tc_combine(x, pu)

# --- scband reference (transcript-rebuilt; emitter-appended) ---
"""Pipeline reference for scband-cgmodel-29506425324140 (READ-ONLY COPY).

The authoritative reference and input builder live on the scoring server;
editing this copy changes nothing except your own understanding.
"""

import jax, jax.numpy as jnp
import numpy as np

N = 50000
E = 800000
NS = 16
SH = 9
TP = SH * NS  # 144


def setup_inputs(seed: int = 0) -> dict:
    key = jax.random.key(seed)
    ks = jax.random.split(key, 10)
    x = jax.random.normal(ks[0], (N, NS), dtype=jnp.float32)
    edge_index = jax.random.randint(ks[1], (2, E), 0, N, dtype=jnp.int32)
    edge_attr = jax.random.normal(ks[2], (E, NS), dtype=jnp.float32)
    edge_sh = jax.random.normal(ks[3], (E, SH), dtype=jnp.float32)
    # TensorProductConvLayer parameters (tp-weight MLP: 3*ns -> 3*ns -> TP, then linear TP -> ns)
    W1 = jax.random.normal(ks[4], (3 * NS, 3 * NS), dtype=jnp.float32) * 0.1
    b1 = jnp.zeros((3 * NS,), dtype=jnp.float32)
    W2 = jax.random.normal(ks[5], (3 * NS, TP), dtype=jnp.float32) * 0.1
    b2 = jnp.zeros((TP,), dtype=jnp.float32)
    Wout = jax.random.normal(ks[6], (TP, NS), dtype=jnp.float32) * 0.1
    bout = jnp.zeros((NS,), dtype=jnp.float32)
    return {"x": x, "edge_index": edge_index, "edge_attr": edge_attr,
            "edge_sh": edge_sh, "W1": W1, "b1": b1, "W2": W2, "b2": b2,
            "Wout": Wout, "bout": bout}


def reference(x, edge_index, edge_attr, edge_sh, W1, b1, W2, b2, Wout, bout):
    src = edge_index[0]
    dst = edge_index[1]
    # edge feature = [edge_attr, scalar feats of src, scalar feats of dst]  (3*ns)
    x_src = jnp.take(x, src, axis=0)
    x_dst = jnp.take(x, dst, axis=0)
    ef = jnp.concatenate([edge_attr, x_src, x_dst], axis=-1)
    # tp-weight MLP
    h = jax.nn.relu(ef @ W1 + b1)
    tp_w = h @ W2 + b2  # [E, TP]
    # tensor product of source node features with edge spherical harmonics,
    # modulated by learned per-edge weights, then projected back to node irreps
    tp = (edge_sh[:, :, None] * x_src[:, None, :]).reshape(E, TP)
    msg = (tp * tp_w) @ Wout + bout  # [E, NS]
    # scatter-add aggregation to destination nodes + residual
    agg = jax.ops.segment_sum(msg, dst, num_segments=N)
    deg_scale = 1.0 / jnp.sqrt(float(E) / float(N))
    out = x + agg * deg_scale
    return out

if __name__ == "__main__":
    import jax
    _d = setup_inputs()
    print(jax.jit(kernel)(*tuple(_d.values())))

</pallas_src>

<mosaic_0001>
#map = affine_map<(d0, d1) -> (0, 0)>
#map1 = affine_map<(d0, d1) -> (0, 0, 0)>
module attributes {stable_mosaic.version = 14 : i64} {
  func.func @_scatter_body(%arg0: i32, %arg1: i32, %arg2: memref<819200x128xf32, #tpu.memory_space<hbm>>, %arg3: memref<1x819200xi32, #tpu.memory_space<hbm>>, %arg4: memref<2x6400x128xf32, #tpu.memory_space<hbm>>, %arg5: memref<6400x128xf32, #tpu.memory_space<vmem_shared>>, %arg6: memref<128x128xf32, #tpu.memory_space<vmem>>) attributes {dimension_semantics = [#tpu.dimension_semantics<core_parallel>, #tpu.dimension_semantics<subcore_parallel>], iteration_bounds = array<i64: 2, 16>, scalar_prefetch = 0 : i64, scratch_operands = 2 : i64, tpu.core_type = #tpu.core_type<sc_vector_subcore>, window_params = [{transform_indices = #map}, {transform_indices = #map}, {transform_indices = #map1}]} {
    %scan3A = arith.constant 0 : i32
    %scan3A_0 = arith.constant 128 : i32
    %scan3A_1 = arith.addi %scan3A, %scan3A_0 : i32
    %scan3A_2 = arith.constant 1 : i32
    scf.for %scan3A_36 = %scan3A to %scan3A_1 step %scan3A_2  : i32 {
      %mul3A_37 = arith.constant 1 : i32
      %mul3A_38 = arith.muli %scan3A_36, %mul3A_37 : i32
      %add3A_39 = arith.constant 0 : i32
      %add3A_40 = arith.addi %add3A_39, %mul3A_38 : i32
      %scan3A_41 = arith.constant 0 : i32
      %scan3A_42 = arith.constant 8 : i32
      %scan3A_43 = arith.addi %scan3A_41, %scan3A_42 : i32
      %scan3A_44 = arith.constant 1 : i32
      scf.for %scan3A_46 = %scan3A_41 to %scan3A_43 step %scan3A_44  : i32 {
        %mul3A_47 = arith.constant 1 : i32
        %mul3A_48 = arith.muli %scan3A_46, %mul3A_47 : i32
        %add3A_49 = arith.constant 0 : i32
        %add3A_50 = arith.addi %add3A_49, %mul3A_48 : i32
        %broadcast_in_dim3A = arith.constant 0.000000e+00 : f32
        %broadcast_in_dim3A_51 = vector.broadcast %broadcast_in_dim3A : f32 to vector<16xf32>
        %mul3A_52 = arith.constant 16 : i32
        %mul3A_53 = arith.muli %add3A_50, %mul3A_52 : i32
        %swap3A = arith.index_cast %add3A_40 : i32 to index
        %swap3A_54 = arith.index_cast %mul3A_53 : i32 to index
        %swap3A_55 = tpu.vector_load %arg6[%swap3A, %swap3A_54] {strides = array<i32>} : memref<128x128xf32, #tpu.memory_space<vmem>>, vector<1x16xf32>,
        %swap3A_56 = vector.shape_cast %swap3A_55 : vector<1x16xf32> to vector<16xf32>
        %swap3A_57 = vector.shape_cast %broadcast_in_dim3A_51 : vector<16xf32> to vector<1x16xf32>
        tpu.vector_store %arg6[%swap3A, %swap3A_54], %swap3A_57 {strides = array<i32>} : memref<128x128xf32, #tpu.memory_space<vmem>>, vector<1x16xf32>,
      }
      %scan3A_45 = arith.constant 8 : i32
    }
    %scan3A_3 = arith.constant 128 : i32
    %mul3A = arith.constant 400 : i32
    %mul3A_4 = arith.muli %arg1, %mul3A : i32
    %add3A = arith.constant 0 : i32
    %add3A_5 = arith.addi %mul3A_4, %add3A : i32
    "tpu.region"() ({
      %run_scoped3A = tpu.sem_alloc : memref<!tpu.dma_semaphore, #tpu.memory_space<semaphore_mem>>
      %dma_start3A = arith.constant 0 : i32
      %dma_start3A_36 = arith.constant 0 : i32
      %dma_start3A_37 = tpu.memref_slice %arg6[%dma_start3A, %dma_start3A_36] : memref<128x128xf32, #tpu.memory_space<vmem>> -> memref<80x128xf32, #tpu.memory_space<vmem>>
      %dma_start3A_38 = arith.constant 0 : i32
      %dma_start3A_39 = tpu.memref_slice %arg5[%add3A_5, %dma_start3A_38] : memref<6400x128xf32, #tpu.memory_space<vmem_shared>> -> memref<80x128xf32, #tpu.memory_space<vmem_shared>>
      %dma_start3A_40 = arith.constant 0 : i32
      %dma_start3A_41 = tpu.memref_slice %arg5[%add3A_5, %dma_start3A_40] : memref<6400x128xf32, #tpu.memory_space<vmem_shared>> -> memref<80x128xf32, #tpu.memory_space<vmem_shared>>
      %dma_start3A_42 = arith.constant 0 : i32
      %dma_start3A_43 = arith.constant 0 : i32
      %dma_start3A_44 = tpu.memref_slice %arg6[%dma_start3A_42, %dma_start3A_43] : memref<128x128xf32, #tpu.memory_space<vmem>> -> memref<80x128xf32, #tpu.memory_space<vmem>>
      tpu.enqueue_dma source(%dma_start3A_44 : memref<80x128xf32, #tpu.memory_space<vmem>>) target(%dma_start3A_41 : memref<80x128xf32, #tpu.memory_space<vmem_shared>>) target_semaphore(%run_scoped3A : memref<!tpu.dma_semaphore, #tpu.memory_space<semaphore_mem>>)
      %dma_wait3A = arith.constant 0 : i32
      %dma_wait3A_45 = arith.constant 0 : i32
      %dma_wait3A_46 = tpu.memref_slice %arg6[%dma_wait3A, %dma_wait3A_45] : memref<128x128xf32, #tpu.memory_space<vmem>> -> memref<80x128xf32, #tpu.memory_space<vmem>>
      %dma_wait3A_47 = arith.constant 0 : i32
      %dma_wait3A_48 = tpu.memref_slice %arg5[%add3A_5, %dma_wait3A_47] : memref<6400x128xf32, #tpu.memory_space<vmem_shared>> -> memref<80x128xf32, #tpu.memory_space<vmem_shared>>
      %dma_wait3A_49 = arith.constant 0 : i32
      %dma_wait3A_50 = tpu.memref_slice %arg5[%add3A_5, %dma_wait3A_49] : memref<6400x128xf32, #tpu.memory_space<vmem_shared>> -> memref<80x128xf32, #tpu.memory_space<vmem_shared>>
      %dma_wait3A_51 = arith.constant 0 : i32
      %dma_wait3A_52 = arith.constant 0 : i32
      %dma_wait3A_53 = tpu.memref_slice %arg6[%dma_wait3A_51, %dma_wait3A_52] : memref<128x128xf32, #tpu.memory_space<vmem>> -> memref<80x128xf32, #tpu.memory_space<vmem>>
      tpu.wait_dma2 semaphore(%run_scoped3A : memref<!tpu.dma_semaphore, #tpu.memory_space<semaphore_mem>>) src(%dma_wait3A_53 : memref<80x128xf32, #tpu.memory_space<vmem>>) dst(%dma_wait3A_50 : memref<80x128xf32, #tpu.memory_space<vmem_shared>>)
      tpu.yield
    }) : () -> ()
    %mul3A_6 = arith.constant 400 : i32
    %mul3A_7 = arith.muli %arg1, %mul3A_6 : i32
    %add3A_8 = arith.constant 80 : i32
    %add3A_9 = arith.addi %mul3A_7, %add3A_8 : i32
    "tpu.region"() ({
      %run_scoped3A = tpu.sem_alloc : memref<!tpu.dma_semaphore, #tpu.memory_space<semaphore_mem>>
      %dma_start3A = arith.constant 0 : i32
      %dma_start3A_36 = arith.constant 0 : i32
      %dma_start3A_37 = tpu.memref_slice %arg6[%dma_start3A, %dma_start3A_36] : memref<128x128xf32, #tpu.memory_space<vmem>> -> memref<80x128xf32, #tpu.memory_space<vmem>>
      %dma_start3A_38 = arith.constant 0 : i32
      %dma_start3A_39 = tpu.memref_slice %arg5[%add3A_9, %dma_start3A_38] : memref<6400x128xf32, #tpu.memory_space<vmem_shared>> -> memref<80x128xf32, #tpu.memory_space<vmem_shared>>
      %dma_start3A_40 = arith.constant 0 : i32
      %dma_start3A_41 = tpu.memref_slice %arg5[%add3A_9, %dma_start3A_40] : memref<6400x128xf32, #tpu.memory_space<vmem_shared>> -> memref<80x128xf32, #tpu.memory_space<vmem_shared>>
      %dma_start3A_42 = arith.constant 0 : i32
      %dma_start3A_43 = arith.constant 0 : i32
      %dma_start3A_44 = tpu.memref_slice %arg6[%dma_start3A_42, %dma_start3A_43] : memref<128x128xf32, #tpu.memory_space<vmem>> -> memref<80x128xf32, #tpu.memory_space<vmem>>
      tpu.enqueue_dma source(%dma_start3A_44 : memref<80x128xf32, #tpu.memory_space<vmem>>) target(%dma_start3A_41 : memref<80x128xf32, #tpu.memory_space<vmem_shared>>) target_semaphore(%run_scoped3A : memref<!tpu.dma_semaphore, #tpu.memory_space<semaphore_mem>>)
      %dma_wait3A = arith.constant 0 : i32
      %dma_wait3A_45 = arith.constant 0 : i32
      %dma_wait3A_46 = tpu.memref_slice %arg6[%dma_wait3A, %dma_wait3A_45] : memref<128x128xf32, #tpu.memory_space<vmem>> -> memref<80x128xf32, #tpu.memory_space<vmem>>
      %dma_wait3A_47 = arith.constant 0 : i32
      %dma_wait3A_48 = tpu.memref_slice %arg5[%add3A_9, %dma_wait3A_47] : memref<6400x128xf32, #tpu.memory_space<vmem_shared>> -> memref<80x128xf32, #tpu.memory_space<vmem_shared>>
      %dma_wait3A_49 = arith.constant 0 : i32
      %dma_wait3A_50 = tpu.memref_slice %arg5[%add3A_9, %dma_wait3A_49] : memref<6400x128xf32, #tpu.memory_space<vmem_shared>> -> memref<80x128xf32, #tpu.memory_space<vmem_shared>>
      %dma_wait3A_51 = arith.constant 0 : i32
      %dma_wait3A_52 = arith.constant 0 : i32
      %dma_wait3A_53 = tpu.memref_slice %arg6[%dma_wait3A_51, %dma_wait3A_52] : memref<128x128xf32, #tpu.memory_space<vmem>> -> memref<80x128xf32, #tpu.memory_space<vmem>>
      tpu.wait_dma2 semaphore(%run_scoped3A : memref<!tpu.dma_semaphore, #tpu.memory_space<semaphore_mem>>) src(%dma_wait3A_53 : memref<80x128xf32, #tpu.memory_space<vmem>>) dst(%dma_wait3A_50 : memref<80x128xf32, #tpu.memory_space<vmem_shared>>)
      tpu.yield
    }) : () -> ()
    %mul3A_10 = arith.constant 400 : i32
    %mul3A_11 = arith.muli %arg1, %mul3A_10 : i32
    %add3A_12 = arith.constant 160 : i32
    %add3A_13 = arith.addi %mul3A_11, %add3A_12 : i32
    "tpu.region"() ({
      %run_scoped3A = tpu.sem_alloc : memref<!tpu.dma_semaphore, #tpu.memory_space<semaphore_mem>>
      %dma_start3A = arith.constant 0 : i32
      %dma_start3A_36 = arith.constant 0 : i32
      %dma_start3A_37 = tpu.memref_slice %arg6[%dma_start3A, %dma_start3A_36] : memref<128x128xf32, #tpu.memory_space<vmem>> -> memref<80x128xf32, #tpu.memory_space<vmem>>
      %dma_start3A_38 = arith.constant 0 : i32
      %dma_start3A_39 = tpu.memref_slice %arg5[%add3A_13, %dma_start3A_38] : memref<6400x128xf32, #tpu.memory_space<vmem_shared>> -> memref<80x128xf32, #tpu.memory_space<vmem_shared>>
      %dma_start3A_40 = arith.constant 0 : i32
      %dma_start3A_41 = tpu.memref_slice %arg5[%add3A_13, %dma_start3A_40] : memref<6400x128xf32, #tpu.memory_space<vmem_shared>> -> memref<80x128xf32, #tpu.memory_space<vmem_shared>>
      %dma_start3A_42 = arith.constant 0 : i32
      %dma_start3A_43 = arith.constant 0 : i32
      %dma_start3A_44 = tpu.memref_slice %arg6[%dma_start3A_42, %dma_start3A_43] : memref<128x128xf32, #tpu.memory_space<vmem>> -> memref<80x128xf32, #tpu.memory_space<vmem>>
      tpu.enqueue_dma source(%dma_start3A_44 : memref<80x128xf32, #tpu.memory_space<vmem>>) target(%dma_start3A_41 : memref<80x128xf32, #tpu.memory_space<vmem_shared>>) target_semaphore(%run_scoped3A : memref<!tpu.dma_semaphore, #tpu.memory_space<semaphore_mem>>)
      %dma_wait3A = arith.constant 0 : i32
      %dma_wait3A_45 = arith.constant 0 : i32
      %dma_wait3A_46 = tpu.memref_slice %arg6[%dma_wait3A, %dma_wait3A_45] : memref<128x128xf32, #tpu.memory_space<vmem>> -> memref<80x128xf32, #tpu.memory_space<vmem>>
      %dma_wait3A_47 = arith.constant 0 : i32
      %dma_wait3A_48 = tpu.memref_slice %arg5[%add3A_13, %dma_wait3A_47] : memref<6400x128xf32, #tpu.memory_space<vmem_shared>> -> memref<80x128xf32, #tpu.memory_space<vmem_shared>>
      %dma_wait3A_49 = arith.constant 0 : i32
      %dma_wait3A_50 = tpu.memref_slice %arg5[%add3A_13, %dma_wait3A_49] : memref<6400x128xf32, #tpu.memory_space<vmem_shared>> -> memref<80x128xf32, #tpu.memory_space<vmem_shared>>
      %dma_wait3A_51 = arith.constant 0 : i32
      %dma_wait3A_52 = arith.constant 0 : i32
      %dma_wait3A_53 = tpu.memref_slice %arg6[%dma_wait3A_51, %dma_wait3A_52] : memref<128x128xf32, #tpu.memory_space<vmem>> -> memref<80x128xf32, #tpu.memory_space<vmem>>
      tpu.wait_dma2 semaphore(%run_scoped3A : memref<!tpu.dma_semaphore, #tpu.memory_space<semaphore_mem>>) src(%dma_wait3A_53 : memref<80x128xf32, #tpu.memory_space<vmem>>) dst(%dma_wait3A_50 : memref<80x128xf32, #tpu.memory_space<vmem_shared>>)
      tpu.yield
    }) : () -> ()
    %mul3A_14 = arith.constant 400 : i32
    %mul3A_15 = arith.muli %arg1, %mul3A_14 : i32
    %add3A_16 = arith.constant 240 : i32
    %add3A_17 = arith.addi %mul3A_15, %add3A_16 : i32
    "tpu.region"() ({
      %run_scoped3A = tpu.sem_alloc : memref<!tpu.dma_semaphore, #tpu.memory_space<semaphore_mem>>
      %dma_start3A = arith.constant 0 : i32
      %dma_start3A_36 = arith.constant 0 : i32
      %dma_start3A_37 = tpu.memref_slice %arg6[%dma_start3A, %dma_start3A_36] : memref<128x128xf32, #tpu.memory_space<vmem>> -> memref<80x128xf32, #tpu.memory_space<vmem>>
      %dma_start3A_38 = arith.constant 0 : i32
      %dma_start3A_39 = tpu.memref_slice %arg5[%add3A_17, %dma_start3A_38] : memref<6400x128xf32, #tpu.memory_space<vmem_shared>> -> memref<80x128xf32, #tpu.memory_space<vmem_shared>>
      %dma_start3A_40 = arith.constant 0 : i32
      %dma_start3A_41 = tpu.memref_slice %arg5[%add3A_17, %dma_start3A_40] : memref<6400x128xf32, #tpu.memory_space<vmem_shared>> -> memref<80x128xf32, #tpu.memory_space<vmem_shared>>
      %dma_start3A_42 = arith.constant 0 : i32
      %dma_start3A_43 = arith.constant 0 : i32
      %dma_start3A_44 = tpu.memref_slice %arg6[%dma_start3A_42, %dma_start3A_43] : memref<128x128xf32, #tpu.memory_space<vmem>> -> memref<80x128xf32, #tpu.memory_space<vmem>>
      tpu.enqueue_dma source(%dma_start3A_44 : memref<80x128xf32, #tpu.memory_space<vmem>>) target(%dma_start3A_41 : memref<80x128xf32, #tpu.memory_space<vmem_shared>>) target_semaphore(%run_scoped3A : memref<!tpu.dma_semaphore, #tpu.memory_space<semaphore_mem>>)
      %dma_wait3A = arith.constant 0 : i32
      %dma_wait3A_45 = arith.constant 0 : i32
      %dma_wait3A_46 = tpu.memref_slice %arg6[%dma_wait3A, %dma_wait3A_45] : memref<128x128xf32, #tpu.memory_space<vmem>> -> memref<80x128xf32, #tpu.memory_space<vmem>>
      %dma_wait3A_47 = arith.constant 0 : i32
      %dma_wait3A_48 = tpu.memref_slice %arg5[%add3A_17, %dma_wait3A_47] : memref<6400x128xf32, #tpu.memory_space<vmem_shared>> -> memref<80x128xf32, #tpu.memory_space<vmem_shared>>
      %dma_wait3A_49 = arith.constant 0 : i32
      %dma_wait3A_50 = tpu.memref_slice %arg5[%add3A_17, %dma_wait3A_49] : memref<6400x128xf32, #tpu.memory_space<vmem_shared>> -> memref<80x128xf32, #tpu.memory_space<vmem_shared>>
      %dma_wait3A_51 = arith.constant 0 : i32
      %dma_wait3A_52 = arith.constant 0 : i32
      %dma_wait3A_53 = tpu.memref_slice %arg6[%dma_wait3A_51, %dma_wait3A_52] : memref<128x128xf32, #tpu.memory_space<vmem>> -> memref<80x128xf32, #tpu.memory_space<vmem>>
      tpu.wait_dma2 semaphore(%run_scoped3A : memref<!tpu.dma_semaphore, #tpu.memory_space<semaphore_mem>>) src(%dma_wait3A_53 : memref<80x128xf32, #tpu.memory_space<vmem>>) dst(%dma_wait3A_50 : memref<80x128xf32, #tpu.memory_space<vmem_shared>>)
      tpu.yield
    }) : () -> ()
    %mul3A_18 = arith.constant 400 : i32
    %mul3A_19 = arith.muli %arg1, %mul3A_18 : i32
    %add3A_20 = arith.constant 320 : i32
    %add3A_21 = arith.addi %mul3A_19, %add3A_20 : i32
    "tpu.region"() ({
      %run_scoped3A = tpu.sem_alloc : memref<!tpu.dma_semaphore, #tpu.memory_space<semaphore_mem>>
      %dma_start3A = arith.constant 0 : i32
      %dma_start3A_36 = arith.constant 0 : i32
      %dma_start3A_37 = tpu.memref_slice %arg6[%dma_start3A, %dma_start3A_36] : memref<128x128xf32, #tpu.memory_space<vmem>> -> memref<80x128xf32, #tpu.memory_space<vmem>>
      %dma_start3A_38 = arith.constant 0 : i32
      %dma_start3A_39 = tpu.memref_slice %arg5[%add3A_21, %dma_start3A_38] : memref<6400x128xf32, #tpu.memory_space<vmem_shared>> -> memref<80x128xf32, #tpu.memory_space<vmem_shared>>
      %dma_start3A_40 = arith.constant 0 : i32
      %dma_start3A_41 = tpu.memref_slice %arg5[%add3A_21, %dma_start3A_40] : memref<6400x128xf32, #tpu.memory_space<vmem_shared>> -> memref<80x128xf32, #tpu.memory_space<vmem_shared>>
      %dma_start3A_42 = arith.constant 0 : i32
      %dma_start3A_43 = arith.constant 0 : i32
      %dma_start3A_44 = tpu.memref_slice %arg6[%dma_start3A_42, %dma_start3A_43] : memref<128x128xf32, #tpu.memory_space<vmem>> -> memref<80x128xf32, #tpu.memory_space<vmem>>
      tpu.enqueue_dma source(%dma_start3A_44 : memref<80x128xf32, #tpu.memory_space<vmem>>) target(%dma_start3A_41 : memref<80x128xf32, #tpu.memory_space<vmem_shared>>) target_semaphore(%run_scoped3A : memref<!tpu.dma_semaphore, #tpu.memory_space<semaphore_mem>>)
      %dma_wait3A = arith.constant 0 : i32
      %dma_wait3A_45 = arith.constant 0 : i32
      %dma_wait3A_46 = tpu.memref_slice %arg6[%dma_wait3A, %dma_wait3A_45] : memref<128x128xf32, #tpu.memory_space<vmem>> -> memref<80x128xf32, #tpu.memory_space<vmem>>
      %dma_wait3A_47 = arith.constant 0 : i32
      %dma_wait3A_48 = tpu.memref_slice %arg5[%add3A_21, %dma_wait3A_47] : memref<6400x128xf32, #tpu.memory_space<vmem_shared>> -> memref<80x128xf32, #tpu.memory_space<vmem_shared>>
      %dma_wait3A_49 = arith.constant 0 : i32
      %dma_wait3A_50 = tpu.memref_slice %arg5[%add3A_21, %dma_wait3A_49] : memref<6400x128xf32, #tpu.memory_space<vmem_shared>> -> memref<80x128xf32, #tpu.memory_space<vmem_shared>>
      %dma_wait3A_51 = arith.constant 0 : i32
      %dma_wait3A_52 = arith.constant 0 : i32
      %dma_wait3A_53 = tpu.memref_slice %arg6[%dma_wait3A_51, %dma_wait3A_52] : memref<128x128xf32, #tpu.memory_space<vmem>> -> memref<80x128xf32, #tpu.memory_space<vmem>>
      tpu.wait_dma2 semaphore(%run_scoped3A : memref<!tpu.dma_semaphore, #tpu.memory_space<semaphore_mem>>) src(%dma_wait3A_53 : memref<80x128xf32, #tpu.memory_space<vmem>>) dst(%dma_wait3A_50 : memref<80x128xf32, #tpu.memory_space<vmem_shared>>)
      tpu.yield
    }) : () -> ()
    %barrier3A = arith.constant 0 : index
    tpu.barrier barrier_id(%barrier3A)
    %mul3A_22 = arith.constant 1 : i32
    %mul3A_23 = arith.muli %arg1, %mul3A_22 : i32
    %add3A_24 = arith.constant 0 : i32
    %add3A_25 = arith.addi %add3A_24, %mul3A_23 : i32
    %mul3A_26 = arith.constant 16 : i32
    %mul3A_27 = arith.muli %arg0, %mul3A_26 : i32
    %add3A_28 = arith.addi %add3A_25, %mul3A_27 : i32
    %mul3A_29 = arith.constant 200 : i32
    %mul3A_30 = arith.muli %add3A_28, %mul3A_29 : i32
    "tpu.region"() ({
      %run_scoped3A = memref.alloca() : memref<2x128x128xf32, #tpu.memory_space<vmem>>
      %run_scoped3A_36 = tpu.sem_alloc : memref<2x!tpu.dma_semaphore, #tpu.memory_space<semaphore_mem>>
      %run_scoped3A_37 = memref.alloca() : memref<2x1x128xi32, #tpu.memory_space<vmem>>
      %run_scoped3A_38 = tpu.sem_alloc : memref<2x!tpu.dma_semaphore, #tpu.memory_space<semaphore_mem>>
      %add3A_39 = arith.constant 0 : i32
      %add3A_40 = arith.addi %add3A_39, %mul3A_30 : i32
      %select_n3A = arith.constant true
      %select_n3A_41 = arith.constant 0 : i32
      %select_n3A_42 = arith.constant -1 : i32
      %select_n3A_43 = arith.select %select_n3A, %select_n3A_42, %select_n3A_41 : i32
      %eq3A = arith.constant -1 : i32
      %eq3A_44 = arith.cmpi eq, %select_n3A_43, %eq3A : i32
      %select_n3A_45 = arith.constant 199 : i32
      %select_n3A_46 = arith.select %eq3A_44, %select_n3A_45, %select_n3A_43 : i32
      %add3A_47 = arith.addi %select_n3A_46, %mul3A_30 : i32
      %select_n3A_48 = arith.constant true
      %select_n3A_49 = arith.constant 0 : i32
      %select_n3A_50 = arith.constant 1 : i32
      %select_n3A_51 = arith.select %select_n3A_48, %select_n3A_50, %select_n3A_49 : i32
      %eq3A_52 = arith.constant 200 : i32
      %eq3A_53 = arith.cmpi eq, %select_n3A_51, %eq3A_52 : i32
      %select_n3A_54 = arith.constant 0 : i32
      %select_n3A_55 = arith.select %eq3A_53, %select_n3A_54, %select_n3A_51 : i32
      %add3A_56 = arith.addi %select_n3A_55, %mul3A_30 : i32
      %add3A_57 = arith.constant 1 : i32
      %add3A_58 = arith.addi %select_n3A_55, %add3A_57 : i32
      %select_n3A_59 = arith.constant true
      %select_n3A_60 = arith.select %select_n3A_59, %add3A_58, %select_n3A_55 : i32
      %eq3A_61 = arith.constant 200 : i32
      %eq3A_62 = arith.cmpi eq, %select_n3A_60, %eq3A_61 : i32
      %select_n3A_63 = arith.constant 0 : i32
      %select_n3A_64 = arith.select %eq3A_62, %select_n3A_63, %select_n3A_60 : i32
      %add3A_65 = arith.addi %select_n3A_64, %mul3A_30 : i32
      "tpu.trace_start"() <{level = 10 : i32, message = "ep_initialize_0"}> : () -> ()
      %rem3A = arith.constant 0 : i32
      %rem3A_66 = arith.constant 2 : i32
      %rem3A_67 = arith.remui %rem3A, %rem3A_66 : i32
      %mul3A_68 = arith.constant 128 : i32
      %mul3A_69 = arith.muli %mul3A_68, %add3A_40 : i32
      %dma_start3A = arith.constant 0 : i32
      %dma_start3A_70 = arith.constant 0 : i32
      %dma_start3A_71 = tpu.memref_slice %run_scoped3A[%rem3A_67, %dma_start3A, %dma_start3A_70] : memref<2x128x128xf32, #tpu.memory_space<vmem>> -> memref<1x128x128xf32, #tpu.memory_space<vmem>>
      %dma_start3A_72 = tpu.memref_squeeze %dma_start3A_71 : memref<1x128x128xf32, #tpu.memory_space<vmem>> -> memref<128x128xf32, #tpu.memory_space<vmem>>
      %dma_start3A_73 = arith.constant 0 : i32
      %dma_start3A_74 = tpu.memref_slice %arg2[%mul3A_69, %dma_start3A_73] : memref<819200x128xf32, #tpu.memory_space<hbm>> -> memref<128x128xf32, #tpu.memory_space<hbm>>
      %dma_start3A_75 = tpu.memref_slice %run_scoped3A_36[%rem3A_67] : memref<2x!tpu.dma_semaphore, #tpu.memory_space<semaphore_mem>> -> memref<1x!tpu.dma_semaphore, #tpu.memory_space<semaphore_mem>>
      %dma_start3A_76 = tpu.memref_squeeze %dma_start3A_75 : memref<1x!tpu.dma_semaphore, #tpu.memory_space<semaphore_mem>> -> memref<!tpu.dma_semaphore, #tpu.memory_space<semaphore_mem>>
      %dma_start3A_77 = arith.constant 0 : i32
      %dma_start3A_78 = arith.constant 0 : i32
      %dma_start3A_79 = tpu.memref_slice %run_scoped3A[%rem3A_67, %dma_start3A_77, %dma_start3A_78] : memref<2x128x128xf32, #tpu.memory_space<vmem>> -> memref<1x128x128xf32, #tpu.memory_space<vmem>>
      %dma_start3A_80 = tpu.memref_squeeze %dma_start3A_79 : memref<1x128x128xf32, #tpu.memory_space<vmem>> -> memref<128x128xf32, #tpu.memory_space<vmem>>
      %dma_start3A_81 = arith.constant 0 : i32
      %dma_start3A_82 = tpu.memref_slice %arg2[%mul3A_69, %dma_start3A_81] : memref<819200x128xf32, #tpu.memory_space<hbm>> -> memref<128x128xf32, #tpu.memory_space<hbm>>
      tpu.enqueue_dma source(%dma_start3A_82 : memref<128x128xf32, #tpu.memory_space<hbm>>) target(%dma_start3A_80 : memref<128x128xf32, #tpu.memory_space<vmem>>) target_semaphore(%dma_start3A_76 : memref<!tpu.dma_semaphore, #tpu.memory_space<semaphore_mem>>)
      %add3A_83 = arith.constant 0 : i32
      %add3A_84 = arith.constant 1 : i32
      %add3A_85 = arith.addi %add3A_83, %add3A_84 : i32
      %select_n3A_86 = arith.constant true
      %select_n3A_87 = arith.constant 0 : i32
      %select_n3A_88 = arith.select %select_n3A_86, %add3A_85, %select_n3A_87 : i32
      %rem3A_89 = arith.constant 0 : i32
      %rem3A_90 = arith.constant 2 : i32
      %rem3A_91 = arith.remui %rem3A_89, %rem3A_90 : i32
      %mul3A_92 = arith.constant 128 : i32
      %mul3A_93 = arith.muli %mul3A_92, %add3A_40 : i32
      %dma_start3A_94 = arith.constant 0 : i32
      %dma_start3A_95 = arith.constant 0 : i32
      %dma_start3A_96 = tpu.memref_slice %run_scoped3A_37[%rem3A_91, %dma_start3A_94, %dma_start3A_95] : memref<2x1x128xi32, #tpu.memory_space<vmem>> -> memref<1x1x128xi32, #tpu.memory_space<vmem>>
      %dma_start3A_97 = tpu.memref_squeeze %dma_start3A_96 : memref<1x1x128xi32, #tpu.memory_space<vmem>> -> memref<1x128xi32, #tpu.memory_space<vmem>>
      %dma_start3A_98 = arith.constant 0 : i32
      %dma_start3A_99 = tpu.memref_slice %arg3[%dma_start3A_98, %mul3A_93] : memref<1x819200xi32, #tpu.memory_space<hbm>> -> memref<1x128xi32, #tpu.memory_space<hbm>>
      %dma_start3A_100 = tpu.memref_slice %run_scoped3A_38[%rem3A_91] : memref<2x!tpu.dma_semaphore, #tpu.memory_space<semaphore_mem>> -> memref<1x!tpu.dma_semaphore, #tpu.memory_space<semaphore_mem>>
      %dma_start3A_101 = tpu.memref_squeeze %dma_start3A_100 : memref<1x!tpu.dma_semaphore, #tpu.memory_space<semaphore_mem>> -> memref<!tpu.dma_semaphore, #tpu.memory_space<semaphore_mem>>
      %dma_start3A_102 = arith.constant 0 : i32
      %dma_start3A_103 = arith.constant 0 : i32
      %dma_start3A_104 = tpu.memref_slice %run_scoped3A_37[%rem3A_91, %dma_start3A_102, %dma_start3A_103] : memref<2x1x128xi32, #tpu.memory_space<vmem>> -> memref<1x1x128xi32, #tpu.memory_space<vmem>>
      %dma_start3A_105 = tpu.memref_squeeze %dma_start3A_104 : memref<1x1x128xi32, #tpu.memory_space<vmem>> -> memref<1x128xi32, #tpu.memory_space<vmem>>
      %dma_start3A_106 = arith.constant 0 : i32
      %dma_start3A_107 = tpu.memref_slice %arg3[%dma_start3A_106, %mul3A_93] : memref<1x819200xi32, #tpu.memory_space<hbm>> -> memref<1x128xi32, #tpu.memory_space<hbm>>
      tpu.enqueue_dma source(%dma_start3A_107 : memref<1x128xi32, #tpu.memory_space<hbm>>) target(%dma_start3A_105 : memref<1x128xi32, #tpu.memory_space<vmem>>) target_semaphore(%dma_start3A_101 : memref<!tpu.dma_semaphore, #tpu.memory_space<semaphore_mem>>)
      %add3A_108 = arith.constant 0 : i32
      %add3A_109 = arith.constant 1 : i32
      %add3A_110 = arith.addi %add3A_108, %add3A_109 : i32
      %select_n3A_111 = arith.constant true
      %select_n3A_112 = arith.constant 0 : i32
      %select_n3A_113 = arith.select %select_n3A_111, %add3A_110, %select_n3A_112 : i32
      "tpu.trace_stop"() : () -> ()
      %scan3A_114 = arith.constant 0 : i32
      %scan3A_115 = arith.constant 0 : i32
      %scan3A_116 = arith.constant 0 : i32
      %scan3A_117 = arith.constant 0 : i32
      %scan3A_118 = arith.constant 200 : i32
      %scan3A_119 = arith.addi %scan3A_117, %scan3A_118 : i32
      %scan3A_120 = arith.constant 1 : i32
      %scan3A_121:5 = scf.for %scan3A_158 = %scan3A_117 to %scan3A_119 step %scan3A_120 iter_args(%scan3A_159 = %select_n3A_88, %scan3A_160 = %scan3A_114, %scan3A_161 = %select_n3A_113, %scan3A_162 = %scan3A_115, %scan3A_163 = %scan3A_116) -> (i32, i32, i32, i32, i32)  : i32 {
        %eq3A_164 = arith.constant 0 : i32
        %eq3A_165 = arith.cmpi eq, %scan3A_158, %eq3A_164 : i32
        %eq3A_166 = arith.constant 199 : i32
        %eq3A_167 = arith.cmpi eq, %scan3A_158, %eq3A_166 : i32
        %add3A_168 = arith.addi %scan3A_163, %mul3A_30 : i32
        %sub3A_169 = arith.constant 1 : i32
        %sub3A_170 = arith.subi %scan3A_163, %sub3A_169 : i32
        %select_n3A_171 = arith.constant true
        %select_n3A_172 = arith.select %select_n3A_171, %sub3A_170, %scan3A_163 : i32
        %eq3A_173 = arith.constant -1 : i32
        %eq3A_174 = arith.cmpi eq, %select_n3A_172, %eq3A_173 : i32
        %select_n3A_175 = arith.constant 199 : i32
        %select_n3A_176 = arith.select %eq3A_174, %select_n3A_175, %select_n3A_172 : i32
        %add3A_177 = arith.addi %select_n3A_176, %mul3A_30 : i32
        %add3A_178 = arith.constant 1 : i32
        %add3A_179 = arith.addi %scan3A_163, %add3A_178 : i32
        %select_n3A_180 = arith.constant true
        %select_n3A_181 = arith.select %select_n3A_180, %add3A_179, %scan3A_163 : i32
        %eq3A_182 = arith.constant 200 : i32
        %eq3A_183 = arith.cmpi eq, %select_n3A_181, %eq3A_182 : i32
        %select_n3A_184 = arith.constant 0 : i32
        %select_n3A_185 = arith.select %eq3A_183, %select_n3A_184, %select_n3A_181 : i32
        %add3A_186 = arith.addi %select_n3A_185, %mul3A_30 : i32
        %add3A_187 = arith.constant 1 : i32
        %add3A_188 = arith.addi %select_n3A_185, %add3A_187 : i32
        %select_n3A_189 = arith.constant true
        %select_n3A_190 = arith.select %select_n3A_189, %add3A_188, %select_n3A_185 : i32
        %eq3A_191 = arith.constant 200 : i32
        %eq3A_192 = arith.cmpi eq, %select_n3A_190, %eq3A_191 : i32
        %select_n3A_193 = arith.constant 0 : i32
        %select_n3A_194 = arith.select %eq3A_192, %select_n3A_193, %select_n3A_190 : i32
        %add3A_195 = arith.addi %select_n3A_194, %mul3A_30 : i32
        %ne3A = arith.cmpi ne, %add3A_168, %add3A_186 : i32
        %or3A = arith.constant false
        %or3A_196 = arith.ori %or3A, %ne3A : i1
        %or3A_197 = arith.constant false
        %or3A_198 = arith.ori %or3A_196, %or3A_197 : i1
        %ge3A = arith.constant 199 : i32
        %ge3A_199 = arith.cmpi sge, %scan3A_158, %ge3A : i32
        %not3A = arith.constant true
        %not3A_200 = arith.xori %ge3A_199, %not3A : i1
        %and3A = arith.andi %or3A_198, %not3A_200 : i1
        %convert_element_type3A = arith.extui %and3A : i1 to i32
        %cond3A = arith.constant 0 : i32
        %cond3A_201 = arith.cmpi ne, %convert_element_type3A, %cond3A : i32
        scf.if %cond3A_201 {
          "tpu.trace_start"() <{level = 10 : i32, message = "ep_copy_in"}> : () -> ()
          %rem3A_312 = arith.constant 2 : i32
          %rem3A_313 = arith.remui %scan3A_159, %rem3A_312 : i32
          %mul3A_314 = arith.constant 128 : i32
          %mul3A_315 = arith.muli %mul3A_314, %add3A_186 : i32
          %dma_start3A_316 = arith.constant 0 : i32
          %dma_start3A_317 = arith.constant 0 : i32
          %dma_start3A_318 = tpu.memref_slice %run_scoped3A[%rem3A_313, %dma_start3A_316, %dma_start3A_317] : memref<2x128x128xf32, #tpu.memory_space<vmem>> -> memref<1x128x128xf32, #tpu.memory_space<vmem>>
          %dma_start3A_319 = tpu.memref_squeeze %dma_start3A_318 : memref<1x128x128xf32, #tpu.memory_space<vmem>> -> memref<128x128xf32, #tpu.memory_space<vmem>>
          %dma_start3A_320 = arith.constant 0 : i32
          %dma_start3A_321 = tpu.memref_slice %arg2[%mul3A_315, %dma_start3A_320] : memref<819200x128xf32, #tpu.memory_space<hbm>> -> memref<128x128xf32, #tpu.memory_space<hbm>>
          %dma_start3A_322 = tpu.memref_slice %run_scoped3A_36[%rem3A_313] : memref<2x!tpu.dma_semaphore, #tpu.memory_space<semaphore_mem>> -> memref<1x!tpu.dma_semaphore, #tpu.memory_space<semaphore_mem>>
          %dma_start3A_323 = tpu.memref_squeeze %dma_start3A_322 : memref<1x!tpu.dma_semaphore, #tpu.memory_space<semaphore_mem>> -> memref<!tpu.dma_semaphore, #tpu.memory_space<semaphore_mem>>
          %dma_start3A_324 = arith.constant 0 : i32
          %dma_start3A_325 = arith.constant 0 : i32
          %dma_start3A_326 = tpu.memref_slice %run_scoped3A[%rem3A_313, %dma_start3A_324, %dma_start3A_325] : memref<2x128x128xf32, #tpu.memory_space<vmem>> -> memref<1x128x128xf32, #tpu.memory_space<vmem>>
          %dma_start3A_327 = tpu.memref_squeeze %dma_start3A_326 : memref<1x128x128xf32, #tpu.memory_space<vmem>> -> memref<128x128xf32, #tpu.memory_space<vmem>>
          %dma_start3A_328 = arith.constant 0 : i32
          %dma_start3A_329 = tpu.memref_slice %arg2[%mul3A_315, %dma_start3A_328] : memref<819200x128xf32, #tpu.memory_space<hbm>> -> memref<128x128xf32, #tpu.memory_space<hbm>>
          tpu.enqueue_dma source(%dma_start3A_329 : memref<128x128xf32, #tpu.memory_space<hbm>>) target(%dma_start3A_327 : memref<128x128xf32, #tpu.memory_space<vmem>>) target_semaphore(%dma_start3A_323 : memref<!tpu.dma_semaphore, #tpu.memory_space<semaphore_mem>>)
          "tpu.trace_stop"() : () -> ()
        } else {
        }
        %and3A_202 = arith.constant true
        %and3A_203 = arith.andi %and3A, %and3A_202 : i1
        %add3A_204 = arith.constant 1 : i32
        %add3A_205 = arith.addi %scan3A_159, %add3A_204 : i32
        %select_n3A_206 = arith.select %and3A_203, %add3A_205, %scan3A_159 : i32
        %ne3A_207 = arith.cmpi ne, %add3A_168, %add3A_186 : i32
        %or3A_208 = arith.constant false
        %or3A_209 = arith.ori %or3A_208, %ne3A_207 : i1
        %ge3A_210 = arith.constant 199 : i32
        %ge3A_211 = arith.cmpi sge, %scan3A_158, %ge3A_210 : i32
        %not3A_212 = arith.constant true
        %not3A_213 = arith.xori %ge3A_211, %not3A_212 : i1
        %and3A_214 = arith.andi %or3A_209, %not3A_213 : i1
        %convert_element_type3A_215 = arith.extui %and3A_214 : i1 to i32
        %cond3A_216 = arith.constant 0 : i32
        %cond3A_217 = arith.cmpi ne, %convert_element_type3A_215, %cond3A_216 : i32
        scf.if %cond3A_217 {
          "tpu.trace_start"() <{level = 10 : i32, message = "ep_copy_in"}> : () -> ()
          %rem3A_312 = arith.constant 2 : i32
          %rem3A_313 = arith.remui %scan3A_161, %rem3A_312 : i32
          %mul3A_314 = arith.constant 128 : i32
          %mul3A_315 = arith.muli %mul3A_314, %add3A_186 : i32
          %dma_start3A_316 = arith.constant 0 : i32
          %dma_start3A_317 = arith.constant 0 : i32
          %dma_start3A_318 = tpu.memref_slice %run_scoped3A_37[%rem3A_313, %dma_start3A_316, %dma_start3A_317] : memref<2x1x128xi32, #tpu.memory_space<vmem>> -> memref<1x1x128xi32, #tpu.memory_space<vmem>>
          %dma_start3A_319 = tpu.memref_squeeze %dma_start3A_318 : memref<1x1x128xi32, #tpu.memory_space<vmem>> -> memref<1x128xi32, #tpu.memory_space<vmem>>
          %dma_start3A_320 = arith.constant 0 : i32
          %dma_start3A_321 = tpu.memref_slice %arg3[%dma_start3A_320, %mul3A_315] : memref<1x819200xi32, #tpu.memory_space<hbm>> -> memref<1x128xi32, #tpu.memory_space<hbm>>
          %dma_start3A_322 = tpu.memref_slice %run_scoped3A_38[%rem3A_313] : memref<2x!tpu.dma_semaphore, #tpu.memory_space<semaphore_mem>> -> memref<1x!tpu.dma_semaphore, #tpu.memory_space<semaphore_mem>>
          %dma_start3A_323 = tpu.memref_squeeze %dma_start3A_322 : memref<1x!tpu.dma_semaphore, #tpu.memory_space<semaphore_mem>> -> memref<!tpu.dma_semaphore, #tpu.memory_space<semaphore_mem>>
          %dma_start3A_324 = arith.constant 0 : i32
          %dma_start3A_325 = arith.constant 0 : i32
          %dma_start3A_326 = tpu.memref_slice %run_scoped3A_37[%rem3A_313, %dma_start3A_324, %dma_start3A_325] : memref<2x1x128xi32, #tpu.memory_space<vmem>> -> memref<1x1x128xi32, #tpu.memory_space<vmem>>
          %dma_start3A_327 = tpu.memref_squeeze %dma_start3A_326 : memref<1x1x128xi32, #tpu.memory_space<vmem>> -> memref<1x128xi32, #tpu.memory_space<vmem>>
          %dma_start3A_328 = arith.constant 0 : i32
          %dma_start3A_329 = tpu.memref_slice %arg3[%dma_start3A_328, %mul3A_315] : memref<1x819200xi32, #tpu.memory_space<hbm>> -> memref<1x128xi32, #tpu.memory_space<hbm>>
          tpu.enqueue_dma source(%dma_start3A_329 : memref<1x128xi32, #tpu.memory_space<hbm>>) target(%dma_start3A_327 : memref<1x128xi32, #tpu.memory_space<vmem>>) target_semaphore(%dma_start3A_323 : memref<!tpu.dma_semaphore, #tpu.memory_space<semaphore_mem>>)
          "tpu.trace_stop"() : () -> ()
        } else {
        }
        %and3A_218 = arith.constant true
        %and3A_219 = arith.andi %and3A_214, %and3A_218 : i1
        %add3A_220 = arith.constant 1 : i32
        %add3A_221 = arith.addi %scan3A_161, %add3A_220 : i32
        %select_n3A_222 = arith.select %and3A_219, %add3A_221, %scan3A_161 : i32
        %ne3A_223 = arith.cmpi ne, %add3A_168, %add3A_177 : i32
        %or3A_224 = arith.constant false
        %or3A_225 = arith.ori %or3A_224, %ne3A_223 : i1
        %or3A_226 = arith.constant false
        %or3A_227 = arith.ori %or3A_225, %or3A_226 : i1
        %or3A_228 = arith.ori %or3A_227, %eq3A_165 : i1
        %convert_element_type3A_229 = arith.extui %or3A_228 : i1 to i32
        %cond3A_230 = arith.constant 0 : i32
        %cond3A_231 = arith.cmpi ne, %convert_element_type3A_229, %cond3A_230 : i32
        scf.if %cond3A_231 {
          "tpu.trace_start"() <{level = 10 : i32, message = "ep_wait_in"}> : () -> ()
          %mul3A_312 = arith.constant 128 : i32
          %mul3A_313 = arith.muli %mul3A_312, %add3A_168 : i32
          %rem3A_314 = arith.constant 2 : i32
          %rem3A_315 = arith.remui %scan3A_160, %rem3A_314 : i32
          %dma_wait3A = arith.constant 0 : i32
          %dma_wait3A_316 = arith.constant 0 : i32
          %dma_wait3A_317 = tpu.memref_slice %run_scoped3A[%rem3A_315, %dma_wait3A, %dma_wait3A_316] : memref<2x128x128xf32, #tpu.memory_space<vmem>> -> memref<1x128x128xf32, #tpu.memory_space<vmem>>
          %dma_wait3A_318 = tpu.memref_squeeze %dma_wait3A_317 : memref<1x128x128xf32, #tpu.memory_space<vmem>> -> memref<128x128xf32, #tpu.memory_space<vmem>>
          %dma_wait3A_319 = arith.constant 0 : i32
          %dma_wait3A_320 = tpu.memref_slice %arg2[%mul3A_313, %dma_wait3A_319] : memref<819200x128xf32, #tpu.memory_space<hbm>> -> memref<128x128xf32, #tpu.memory_space<hbm>>
          %dma_wait3A_321 = tpu.memref_slice %run_scoped3A_36[%rem3A_315] : memref<2x!tpu.dma_semaphore, #tpu.memory_space<semaphore_mem>> -> memref<1x!tpu.dma_semaphore, #tpu.memory_space<semaphore_mem>>
          %dma_wait3A_322 = tpu.memref_squeeze %dma_wait3A_321 : memref<1x!tpu.dma_semaphore, #tpu.memory_space<semaphore_mem>> -> memref<!tpu.dma_semaphore, #tpu.memory_space<semaphore_mem>>
          %dma_wait3A_323 = arith.constant 0 : i32
          %dma_wait3A_324 = arith.constant 0 : i32
          %dma_wait3A_325 = tpu.memref_slice %run_scoped3A[%rem3A_315, %dma_wait3A_323, %dma_wait3A_324] : memref<2x128x128xf32, #tpu.memory_space<vmem>> -> memref<1x128x128xf32, #tpu.memory_space<vmem>>
          %dma_wait3A_326 = tpu.memref_squeeze %dma_wait3A_325 : memref<1x128x128xf32, #tpu.memory_space<vmem>> -> memref<128x128xf32, #tpu.memory_space<vmem>>
          %dma_wait3A_327 = arith.constant 0 : i32
          %dma_wait3A_328 = tpu.memref_slice %arg2[%mul3A_313, %dma_wait3A_327] : memref<819200x128xf32, #tpu.memory_space<hbm>> -> memref<128x128xf32, #tpu.memory_space<hbm>>
          tpu.wait_dma2 semaphore(%dma_wait3A_322 : memref<!tpu.dma_semaphore, #tpu.memory_space<semaphore_mem>>) src(%dma_wait3A_328 : memref<128x128xf32, #tpu.memory_space<hbm>>) dst(%dma_wait3A_326 : memref<128x128xf32, #tpu.memory_space<vmem>>)
          "tpu.trace_stop"() : () -> ()
        } else {
        }
        %ne3A_232 = arith.cmpi ne, %add3A_168, %add3A_177 : i32
        %or3A_233 = arith.constant false
        %or3A_234 = arith.ori %or3A_233, %ne3A_232 : i1
        %or3A_235 = arith.ori %or3A_234, %eq3A_165 : i1
        %convert_element_type3A_236 = arith.extui %or3A_235 : i1 to i32
        %cond3A_237 = arith.constant 0 : i32
        %cond3A_238 = arith.cmpi ne, %convert_element_type3A_236, %cond3A_237 : i32
        scf.if %cond3A_238 {
          "tpu.trace_start"() <{level = 10 : i32, message = "ep_wait_in"}> : () -> ()
          %mul3A_312 = arith.constant 128 : i32
          %mul3A_313 = arith.muli %mul3A_312, %add3A_168 : i32
          %rem3A_314 = arith.constant 2 : i32
          %rem3A_315 = arith.remui %scan3A_162, %rem3A_314 : i32
          %dma_wait3A = arith.constant 0 : i32
          %dma_wait3A_316 = arith.constant 0 : i32
          %dma_wait3A_317 = tpu.memref_slice %run_scoped3A_37[%rem3A_315, %dma_wait3A, %dma_wait3A_316] : memref<2x1x128xi32, #tpu.memory_space<vmem>> -> memref<1x1x128xi32, #tpu.memory_space<vmem>>
          %dma_wait3A_318 = tpu.memref_squeeze %dma_wait3A_317 : memref<1x1x128xi32, #tpu.memory_space<vmem>> -> memref<1x128xi32, #tpu.memory_space<vmem>>
          %dma_wait3A_319 = arith.constant 0 : i32
          %dma_wait3A_320 = tpu.memref_slice %arg3[%dma_wait3A_319, %mul3A_313] : memref<1x819200xi32, #tpu.memory_space<hbm>> -> memref<1x128xi32, #tpu.memory_space<hbm>>
          %dma_wait3A_321 = tpu.memref_slice %run_scoped3A_38[%rem3A_315] : memref<2x!tpu.dma_semaphore, #tpu.memory_space<semaphore_mem>> -> memref<1x!tpu.dma_semaphore, #tpu.memory_space<semaphore_mem>>
          %dma_wait3A_322 = tpu.memref_squeeze %dma_wait3A_321 : memref<1x!tpu.dma_semaphore, #tpu.memory_space<semaphore_mem>> -> memref<!tpu.dma_semaphore, #tpu.memory_space<semaphore_mem>>
          %dma_wait3A_323 = arith.constant 0 : i32
          %dma_wait3A_324 = arith.constant 0 : i32
          %dma_wait3A_325 = tpu.memref_slice %run_scoped3A_37[%rem3A_315, %dma_wait3A_323, %dma_wait3A_324] : memref<2x1x128xi32, #tpu.memory_space<vmem>> -> memref<1x1x128xi32, #tpu.memory_space<vmem>>
          %dma_wait3A_326 = tpu.memref_squeeze %dma_wait3A_325 : memref<1x1x128xi32, #tpu.memory_space<vmem>> -> memref<1x128xi32, #tpu.memory_space<vmem>>
          %dma_wait3A_327 = arith.constant 0 : i32
          %dma_wait3A_328 = tpu.memref_slice %arg3[%dma_wait3A_327, %mul3A_313] : memref<1x819200xi32, #tpu.memory_space<hbm>> -> memref<1x128xi32, #tpu.memory_space<hbm>>
          tpu.wait_dma2 semaphore(%dma_wait3A_322 : memref<!tpu.dma_semaphore, #tpu.memory_space<semaphore_mem>>) src(%dma_wait3A_328 : memref<1x128xi32, #tpu.memory_space<hbm>>) dst(%dma_wait3A_326 : memref<1x128xi32, #tpu.memory_space<vmem>>)
          "tpu.trace_stop"() : () -> ()
        } else {
        }
        %rem3A_239 = arith.constant 2 : i32
        %rem3A_240 = arith.remui %scan3A_160, %rem3A_239 : i32
        %rem3A_241 = arith.constant 2 : i32
        %rem3A_242 = arith.remui %scan3A_162, %rem3A_241 : i32
        %run_scoped3A_243 = arith.constant 0 : i32
        "tpu.trace_start"() <{level = 10 : i32, message = "ep_run_kernel"}> : () -> ()
        "tpu.region"() ({
          %run_scoped3A_312 = tpu.sem_alloc : memref<!tpu.dma_semaphore, #tpu.memory_space<semaphore_mem>>
          %dma_start3A_313 = arith.constant 0 : i32
          %dma_start3A_314 = arith.constant 0 : i32
          %dma_start3A_315 = tpu.memref_slice %run_scoped3A[%rem3A_240, %dma_start3A_313, %dma_start3A_314] : memref<2x128x128xf32, #tpu.memory_space<vmem>> -> memref<1x128x128xf32, #tpu.memory_space<vmem>>
          %dma_start3A_316 = tpu.memref_squeeze %dma_start3A_315 : memref<1x128x128xf32, #tpu.memory_space<vmem>> -> memref<128x128xf32, #tpu.memory_space<vmem>>
          %dma_start3A_317 = arith.constant 0 : i32
          %dma_start3A_318 = arith.constant 0 : i32
          %dma_start3A_319 = tpu.memref_slice %run_scoped3A_37[%rem3A_242, %dma_start3A_317, %dma_start3A_318] : memref<2x1x128xi32, #tpu.memory_space<vmem>> -> memref<1x1x128xi32, #tpu.memory_space<vmem>>
          %dma_start3A_320 = tpu.memref_squeeze %dma_start3A_319 : memref<1x1x128xi32, #tpu.memory_space<vmem>> -> memref<1x128xi32, #tpu.memory_space<vmem>>
          %dma_start3A_321 = arith.constant 0 : i32
          %dma_start3A_322 = tpu.memref_slice %dma_start3A_320[%run_scoped3A_243, %dma_start3A_321] : memref<1x128xi32, #tpu.memory_space<vmem>> -> memref<1x128xi32, #tpu.memory_space<vmem>>
          %dma_start3A_323 = tpu.memref_squeeze %dma_start3A_322 : memref<1x128xi32, #tpu.memory_space<vmem>> -> memref<128xi32, #tpu.memory_space<vmem>>
          %dma_start3A_324 = arith.constant 0 : i32
          %dma_start3A_325 = arith.constant 0 : i32
          %dma_start3A_326 = tpu.memref_slice %arg5[%dma_start3A_324, %dma_start3A_325] : memref<6400x128xf32, #tpu.memory_space<vmem_shared>> -> memref<6400x128xf32, #tpu.memory_space<vmem_shared>>
          tpu.enqueue_indirect_dma source(%dma_start3A_316 : memref<128x128xf32, #tpu.memory_space<vmem>>) target(%dma_start3A_326 : memref<6400x128xf32, #tpu.memory_space<vmem_shared>>) offsets(%dma_start3A_323 : memref<128xi32, #tpu.memory_space<vmem>>) semaphore(%run_scoped3A_312 : memref<!tpu.dma_semaphore, #tpu.memory_space<semaphore_mem>>) {add = true}
          %dma_wait3A = arith.constant 0 : i32
          %dma_wait3A_327 = arith.constant 0 : i32
          %dma_wait3A_328 = tpu.memref_slice %run_scoped3A[%rem3A_240, %dma_wait3A, %dma_wait3A_327] : memref<2x128x128xf32, #tpu.memory_space<vmem>> -> memref<1x128x128xf32, #tpu.memory_space<vmem>>
          %dma_wait3A_329 = tpu.memref_squeeze %dma_wait3A_328 : memref<1x128x128xf32, #tpu.memory_space<vmem>> -> memref<128x128xf32, #tpu.memory_space<vmem>>
          %dma_wait3A_330 = arith.constant 0 : i32
          %dma_wait3A_331 = arith.constant 0 : i32
          %dma_wait3A_332 = tpu.memref_slice %run_scoped3A_37[%rem3A_242, %dma_wait3A_330, %dma_wait3A_331] : memref<2x1x128xi32, #tpu.memory_space<vmem>> -> memref<1x1x128xi32, #tpu.memory_space<vmem>>
          %dma_wait3A_333 = tpu.memref_squeeze %dma_wait3A_332 : memref<1x1x128xi32, #tpu.memory_space<vmem>> -> memref<1x128xi32, #tpu.memory_space<vmem>>
          %dma_wait3A_334 = arith.constant 0 : i32
          %dma_wait3A_335 = tpu.memref_slice %dma_wait3A_333[%run_scoped3A_243, %dma_wait3A_334] : memref<1x128xi32, #tpu.memory_space<vmem>> -> memref<1x128xi32, #tpu.memory_space<vmem>>
          %dma_wait3A_336 = tpu.memref_squeeze %dma_wait3A_335 : memref<1x128xi32, #tpu.memory_space<vmem>> -> memref<128xi32, #tpu.memory_space<vmem>>
          %dma_wait3A_337 = arith.constant 0 : i32
          %dma_wait3A_338 = arith.constant 0 : i32
          %dma_wait3A_339 = tpu.memref_slice %arg5[%dma_wait3A_337, %dma_wait3A_338] : memref<6400x128xf32, #tpu.memory_space<vmem_shared>> -> memref<6400x128xf32, #tpu.memory_space<vmem_shared>>
          tpu.wait_indirect_dma semaphore(%run_scoped3A_312 : memref<!tpu.dma_semaphore, #tpu.memory_space<semaphore_mem>>) src(%dma_wait3A_329 : memref<128x128xf32, #tpu.memory_space<vmem>>) dst(%dma_wait3A_339 : memref<6400x128xf32, #tpu.memory_space<vmem_shared>>)
          tpu.yield
        }) : () -> ()
        "tpu.trace_stop"() : () -> ()
        %ne3A_244 = arith.cmpi ne, %add3A_168, %add3A_186 : i32
        %or3A_245 = arith.constant false
        %or3A_246 = arith.ori %or3A_245, %ne3A_244 : i1
        %or3A_247 = arith.constant false
        %or3A_248 = arith.ori %or3A_246, %or3A_247 : i1
        %or3A_249 = arith.ori %or3A_248, %eq3A_167 : i1
        %convert_element_type3A_250 = arith.extui %or3A_249 : i1 to i32
        %cond3A_251 = arith.constant 0 : i32
        %cond3A_252 = arith.cmpi ne, %convert_element_type3A_250, %cond3A_251 : i32
        scf.if %cond3A_252 {
        } else {
        }
        %and3A_253 = arith.constant false
        %and3A_254 = arith.andi %or3A_249, %and3A_253 : i1
        %ne3A_255 = arith.cmpi ne, %add3A_168, %add3A_186 : i32
        %or3A_256 = arith.constant false
        %or3A_257 = arith.ori %or3A_256, %ne3A_255 : i1
        %or3A_258 = arith.ori %or3A_257, %eq3A_167 : i1
        %convert_element_type3A_259 = arith.extui %or3A_258 : i1 to i32
        %cond3A_260 = arith.constant 0 : i32
        %cond3A_261 = arith.cmpi ne, %convert_element_type3A_259, %cond3A_260 : i32
        scf.if %cond3A_261 {
        } else {
        }
        %and3A_262 = arith.constant false
        %and3A_263 = arith.andi %or3A_258, %and3A_262 : i1
        %ne3A_264 = arith.cmpi ne, %add3A_168, %add3A_177 : i32
        %or3A_265 = arith.constant false
        %or3A_266 = arith.ori %or3A_265, %ne3A_264 : i1
        %or3A_267 = arith.constant false
        %or3A_268 = arith.ori %or3A_266, %or3A_267 : i1
        %not3A_269 = arith.constant true
        %not3A_270 = arith.xori %eq3A_165, %not3A_269 : i1
        %and3A_271 = arith.andi %or3A_268, %not3A_270 : i1
        %convert_element_type3A_272 = arith.extui %and3A_271 : i1 to i32
        %cond3A_273 = arith.constant 0 : i32
        %cond3A_274 = arith.cmpi ne, %convert_element_type3A_272, %cond3A_273 : i32
        scf.if %cond3A_274 {
        } else {
        }
        %and3A_275 = arith.constant false
        %and3A_276 = arith.andi %and3A_271, %and3A_275 : i1
        %ne3A_277 = arith.cmpi ne, %add3A_168, %add3A_177 : i32
        %or3A_278 = arith.constant false
        %or3A_279 = arith.ori %or3A_278, %ne3A_277 : i1
        %not3A_280 = arith.constant true
        %not3A_281 = arith.xori %eq3A_165, %not3A_280 : i1
        %and3A_282 = arith.andi %or3A_279, %not3A_281 : i1
        %convert_element_type3A_283 = arith.extui %and3A_282 : i1 to i32
        %cond3A_284 = arith.constant 0 : i32
        %cond3A_285 = arith.cmpi ne, %convert_element_type3A_283, %cond3A_284 : i32
        scf.if %cond3A_285 {
        } else {
        }
        %and3A_286 = arith.constant false
        %and3A_287 = arith.andi %and3A_282, %and3A_286 : i1
        %ne3A_288 = arith.cmpi ne, %add3A_168, %add3A_186 : i32
        %or3A_289 = arith.constant false
        %or3A_290 = arith.ori %or3A_289, %ne3A_288 : i1
        %or3A_291 = arith.constant false
        %or3A_292 = arith.ori %or3A_290, %or3A_291 : i1
        %or3A_293 = arith.ori %or3A_292, %eq3A_167 : i1
        %add3A_294 = arith.constant 1 : i32
        %add3A_295 = arith.addi %scan3A_160, %add3A_294 : i32
        %select_n3A_296 = arith.select %or3A_293, %add3A_295, %scan3A_160 : i32
        %ne3A_297 = arith.cmpi ne, %add3A_168, %add3A_186 : i32
        %or3A_298 = arith.constant false
        %or3A_299 = arith.ori %or3A_298, %ne3A_297 : i1
        %or3A_300 = arith.ori %or3A_299, %eq3A_167 : i1
        %add3A_301 = arith.constant 1 : i32
        %add3A_302 = arith.addi %scan3A_162, %add3A_301 : i32
        %select_n3A_303 = arith.select %or3A_300, %add3A_302, %scan3A_162 : i32
        %add3A_304 = arith.constant 1 : i32
        %add3A_305 = arith.addi %scan3A_163, %add3A_304 : i32
        %select_n3A_306 = arith.constant true
        %select_n3A_307 = arith.select %select_n3A_306, %add3A_305, %scan3A_163 : i32
        %eq3A_308 = arith.constant 200 : i32
        %eq3A_309 = arith.cmpi eq, %select_n3A_307, %eq3A_308 : i32
        %select_n3A_310 = arith.constant 0 : i32
        %select_n3A_311 = arith.select %eq3A_309, %select_n3A_310, %select_n3A_307 : i32
        scf.yield %select_n3A_206, %select_n3A_296, %select_n3A_222, %select_n3A_303, %select_n3A_311 : i32, i32, i32, i32, i32
      }
      %scan3A_122 = arith.constant 200 : i32
      %sub3A = arith.constant 1 : i32
      %sub3A_123 = arith.subi %scan3A_121#4, %sub3A : i32
      %select_n3A_124 = arith.constant true
      %select_n3A_125 = arith.select %select_n3A_124, %sub3A_123, %scan3A_121#4 : i32
      %eq3A_126 = arith.constant -1 : i32
      %eq3A_127 = arith.cmpi eq, %select_n3A_125, %eq3A_126 : i32
      %select_n3A_128 = arith.constant 199 : i32
      %select_n3A_129 = arith.select %eq3A_127, %select_n3A_128, %select_n3A_125 : i32
      %add3A_130 = arith.addi %select_n3A_129, %mul3A_30 : i32
      %sub3A_131 = arith.constant 1 : i32
      %sub3A_132 = arith.subi %select_n3A_129, %sub3A_131 : i32
      %select_n3A_133 = arith.constant true
      %select_n3A_134 = arith.select %select_n3A_133, %sub3A_132, %select_n3A_129 : i32
      %eq3A_135 = arith.constant -1 : i32
      %eq3A_136 = arith.cmpi eq, %select_n3A_134, %eq3A_135 : i32
      %select_n3A_137 = arith.constant 199 : i32
      %select_n3A_138 = arith.select %eq3A_136, %select_n3A_137, %select_n3A_134 : i32
      %add3A_139 = arith.addi %select_n3A_138, %mul3A_30 : i32
      %add3A_140 = arith.constant 1 : i32
      %add3A_141 = arith.addi %select_n3A_129, %add3A_140 : i32
      %select_n3A_142 = arith.constant true
      %select_n3A_143 = arith.select %select_n3A_142, %add3A_141, %select_n3A_129 : i32
      %eq3A_144 = arith.constant 200 : i32
      %eq3A_145 = arith.cmpi eq, %select_n3A_143, %eq3A_144 : i32
      %select_n3A_146 = arith.constant 0 : i32
      %select_n3A_147 = arith.select %eq3A_145, %select_n3A_146, %select_n3A_143 : i32
      %add3A_148 = arith.addi %select_n3A_147, %mul3A_30 : i32
      %add3A_149 = arith.constant 1 : i32
      %add3A_150 = arith.addi %select_n3A_147, %add3A_149 : i32
      %select_n3A_151 = arith.constant true
      %select_n3A_152 = arith.select %select_n3A_151, %add3A_150, %select_n3A_147 : i32
      %eq3A_153 = arith.constant 200 : i32
      %eq3A_154 = arith.cmpi eq, %select_n3A_152, %eq3A_153 : i32
      %select_n3A_155 = arith.constant 0 : i32
      %select_n3A_156 = arith.select %eq3A_154, %select_n3A_155, %select_n3A_152 : i32
      %add3A_157 = arith.addi %select_n3A_156, %mul3A_30 : i32
      tpu.yield
    }) : () -> ()
    %barrier3A_31 = arith.constant 0 : index
    tpu.barrier barrier_id(%barrier3A_31)
    %mul3A_32 = arith.constant 400 : i32
    %mul3A_33 = arith.muli %arg1, %mul3A_32 : i32
    %mul3A_34 = arith.constant 400 : i32
    %mul3A_35 = arith.muli %arg1, %mul3A_34 : i32
    "tpu.region"() ({
      %run_scoped3A = tpu.sem_alloc : memref<!tpu.dma_semaphore, #tpu.memory_space<semaphore_mem>>
      %dma_start3A = arith.constant 0 : i32
      %dma_start3A_36 = tpu.memref_slice %arg4[%arg0, %mul3A_35, %dma_start3A] : memref<2x6400x128xf32, #tpu.memory_space<hbm>> -> memref<1x400x128xf32, #tpu.memory_space<hbm>>
      %dma_start3A_37 = tpu.memref_squeeze %dma_start3A_36 : memref<1x400x128xf32, #tpu.memory_space<hbm>> -> memref<400x128xf32, #tpu.memory_space<hbm>>
      %dma_start3A_38 = arith.constant 0 : i32
      %dma_start3A_39 = tpu.memref_slice %arg5[%mul3A_33, %dma_start3A_38] : memref<6400x128xf32, #tpu.memory_space<vmem_shared>> -> memref<400x128xf32, #tpu.memory_space<vmem_shared>>
      tpu.enqueue_dma source(%dma_start3A_39 : memref<400x128xf32, #tpu.memory_space<vmem_shared>>) target(%dma_start3A_37 : memref<400x128xf32, #tpu.memory_space<hbm>>) target_semaphore(%run_scoped3A : memref<!tpu.dma_semaphore, #tpu.memory_space<semaphore_mem>>)
      %dma_wait3A = arith.constant 0 : i32
      %dma_wait3A_40 = tpu.memref_slice %arg4[%arg0, %mul3A_35, %dma_wait3A] : memref<2x6400x128xf32, #tpu.memory_space<hbm>> -> memref<1x400x128xf32, #tpu.memory_space<hbm>>
      %dma_wait3A_41 = tpu.memref_squeeze %dma_wait3A_40 : memref<1x400x128xf32, #tpu.memory_space<hbm>> -> memref<400x128xf32, #tpu.memory_space<hbm>>
      %dma_wait3A_42 = arith.constant 0 : i32
      %dma_wait3A_43 = tpu.memref_slice %arg5[%mul3A_33, %dma_wait3A_42] : memref<6400x128xf32, #tpu.memory_space<vmem_shared>> -> memref<400x128xf32, #tpu.memory_space<vmem_shared>>
      tpu.wait_dma2 semaphore(%run_scoped3A : memref<!tpu.dma_semaphore, #tpu.memory_space<semaphore_mem>>) src(%dma_wait3A_43 : memref<400x128xf32, #tpu.memory_space<vmem_shared>>) dst(%dma_wait3A_41 : memref<400x128xf32, #tpu.memory_space<hbm>>)
      tpu.yield
    }) : () -> ()
    return
  }
}

#map = affine_map<(d0, d1) -> (0, 0)>
module attributes {stable_mosaic.version = 14 : i64} {
  func.func @_gather_body(%arg0: i32, %arg1: i32, %arg2: memref<50000x128xf32, #tpu.memory_space<hbm>>, %arg3: memref<1x1638400xi32, #tpu.memory_space<hbm>>, %arg4: memref<1638400x16xf32, #tpu.memory_space<hbm>>, %arg5: memref<256x128xf32, #tpu.memory_space<vmem>>) attributes {dimension_semantics = [#tpu.dimension_semantics<core_parallel>, #tpu.dimension_semantics<subcore_parallel>], iteration_bounds = array<i64: 2, 16>, scalar_prefetch = 0 : i64, scratch_operands = 1 : i64, tpu.core_type = #tpu.core_type<sc_vector_subcore>, window_params = [{transform_indices = #map}, {transform_indices = #map}, {transform_indices = #map}]} {
    %mul3A = arith.constant 1 : i32
    %mul3A_0 = arith.muli %arg1, %mul3A : i32
    %add3A = arith.constant 0 : i32
    %add3A_1 = arith.addi %add3A, %mul3A_0 : i32
    %mul3A_2 = arith.constant 16 : i32
    %mul3A_3 = arith.muli %arg0, %mul3A_2 : i32
    %add3A_4 = arith.addi %add3A_1, %mul3A_3 : i32
    %mul3A_5 = arith.constant 200 : i32
    %mul3A_6 = arith.muli %add3A_4, %mul3A_5 : i32
    "tpu.region"() ({
      %run_scoped3A = memref.alloca() : memref<2x1x256xi32, #tpu.memory_space<vmem>>
      %run_scoped3A_7 = tpu.sem_alloc : memref<2x!tpu.dma_semaphore, #tpu.memory_space<semaphore_mem>>
      %run_scoped3A_8 = memref.alloca() : memref<2x256x16xf32, #tpu.memory_space<vmem>>
      %run_scoped3A_9 = tpu.sem_alloc : memref<2x!tpu.dma_semaphore, #tpu.memory_space<semaphore_mem>>
      %add3A_10 = arith.constant 0 : i32
      %add3A_11 = arith.addi %add3A_10, %mul3A_6 : i32
      %select_n3A = arith.constant true
      %select_n3A_12 = arith.constant 0 : i32
      %select_n3A_13 = arith.constant -1 : i32
      %select_n3A_14 = arith.select %select_n3A, %select_n3A_13, %select_n3A_12 : i32
      %eq3A = arith.constant -1 : i32
      %eq3A_15 = arith.cmpi eq, %select_n3A_14, %eq3A : i32
      %select_n3A_16 = arith.constant 199 : i32
      %select_n3A_17 = arith.select %eq3A_15, %select_n3A_16, %select_n3A_14 : i32
      %add3A_18 = arith.addi %select_n3A_17, %mul3A_6 : i32
      %select_n3A_19 = arith.constant true
      %select_n3A_20 = arith.constant 0 : i32
      %select_n3A_21 = arith.constant 1 : i32
      %select_n3A_22 = arith.select %select_n3A_19, %select_n3A_21, %select_n3A_20 : i32
      %eq3A_23 = arith.constant 200 : i32
      %eq3A_24 = arith.cmpi eq, %select_n3A_22, %eq3A_23 : i32
      %select_n3A_25 = arith.constant 0 : i32
      %select_n3A_26 = arith.select %eq3A_24, %select_n3A_25, %select_n3A_22 : i32
      %add3A_27 = arith.addi %select_n3A_26, %mul3A_6 : i32
      %add3A_28 = arith.constant 1 : i32
      %add3A_29 = arith.addi %select_n3A_26, %add3A_28 : i32
      %select_n3A_30 = arith.constant true
      %select_n3A_31 = arith.select %select_n3A_30, %add3A_29, %select_n3A_26 : i32
      %eq3A_32 = arith.constant 200 : i32
      %eq3A_33 = arith.cmpi eq, %select_n3A_31, %eq3A_32 : i32
      %select_n3A_34 = arith.constant 0 : i32
      %select_n3A_35 = arith.select %eq3A_33, %select_n3A_34, %select_n3A_31 : i32
      %add3A_36 = arith.addi %select_n3A_35, %mul3A_6 : i32
      "tpu.trace_start"() <{level = 10 : i32, message = "ep_initialize_0"}> : () -> ()
      %rem3A = arith.constant 0 : i32
      %rem3A_37 = arith.constant 2 : i32
      %rem3A_38 = arith.remui %rem3A, %rem3A_37 : i32
      %mul3A_39 = arith.constant 256 : i32
      %mul3A_40 = arith.muli %mul3A_39, %add3A_11 : i32
      %dma_start3A = arith.constant 0 : i32
      %dma_start3A_41 = arith.constant 0 : i32
      %dma_start3A_42 = tpu.memref_slice %run_scoped3A[%rem3A_38, %dma_start3A, %dma_start3A_41] : memref<2x1x256xi32, #tpu.memory_space<vmem>> -> memref<1x1x256xi32, #tpu.memory_space<vmem>>
      %dma_start3A_43 = tpu.memref_squeeze %dma_start3A_42 : memref<1x1x256xi32, #tpu.memory_space<vmem>> -> memref<1x256xi32, #tpu.memory_space<vmem>>
      %dma_start3A_44 = arith.constant 0 : i32
      %dma_start3A_45 = tpu.memref_slice %arg3[%dma_start3A_44, %mul3A_40] : memref<1x1638400xi32, #tpu.memory_space<hbm>> -> memref<1x256xi32, #tpu.memory_space<hbm>>
      %dma_start3A_46 = tpu.memref_slice %run_scoped3A_7[%rem3A_38] : memref<2x!tpu.dma_semaphore, #tpu.memory_space<semaphore_mem>> -> memref<1x!tpu.dma_semaphore, #tpu.memory_space<semaphore_mem>>
      %dma_start3A_47 = tpu.memref_squeeze %dma_start3A_46 : memref<1x!tpu.dma_semaphore, #tpu.memory_space<semaphore_mem>> -> memref<!tpu.dma_semaphore, #tpu.memory_space<semaphore_mem>>
      %dma_start3A_48 = arith.constant 0 : i32
      %dma_start3A_49 = arith.constant 0 : i32
      %dma_start3A_50 = tpu.memref_slice %run_scoped3A[%rem3A_38, %dma_start3A_48, %dma_start3A_49] : memref<2x1x256xi32, #tpu.memory_space<vmem>> -> memref<1x1x256xi32, #tpu.memory_space<vmem>>
      %dma_start3A_51 = tpu.memref_squeeze %dma_start3A_50 : memref<1x1x256xi32, #tpu.memory_space<vmem>> -> memref<1x256xi32, #tpu.memory_space<vmem>>
      %dma_start3A_52 = arith.constant 0 : i32
      %dma_start3A_53 = tpu.memref_slice %arg3[%dma_start3A_52, %mul3A_40] : memref<1x1638400xi32, #tpu.memory_space<hbm>> -> memref<1x256xi32, #tpu.memory_space<hbm>>
      tpu.enqueue_dma source(%dma_start3A_53 : memref<1x256xi32, #tpu.memory_space<hbm>>) target(%dma_start3A_51 : memref<1x256xi32, #tpu.memory_space<vmem>>) target_semaphore(%dma_start3A_47 : memref<!tpu.dma_semaphore, #tpu.memory_space<semaphore_mem>>)
      %add3A_54 = arith.constant 0 : i32
      %add3A_55 = arith.constant 1 : i32
      %add3A_56 = arith.addi %add3A_54, %add3A_55 : i32
      %select_n3A_57 = arith.constant true
      %select_n3A_58 = arith.constant 0 : i32
      %select_n3A_59 = arith.select %select_n3A_57, %add3A_56, %select_n3A_58 : i32
      "tpu.trace_stop"() : () -> ()
      %scan3A = arith.constant 0 : i32
      %scan3A_60 = arith.constant 0 : i32
      %scan3A_61 = arith.constant 0 : i32
      %scan3A_62 = arith.constant 0 : i32
      %scan3A_63 = arith.constant 0 : i32
      %scan3A_64 = arith.constant 200 : i32
      %scan3A_65 = arith.addi %scan3A_63, %scan3A_64 : i32
      %scan3A_66 = arith.constant 1 : i32
      %scan3A_67:5 = scf.for %scan3A_121 = %scan3A_63 to %scan3A_65 step %scan3A_66 iter_args(%scan3A_122 = %select_n3A_59, %scan3A_123 = %scan3A, %scan3A_124 = %scan3A_60, %scan3A_125 = %scan3A_61, %scan3A_126 = %scan3A_62) -> (i32, i32, i32, i32, i32)  : i32 {
        %eq3A_127 = arith.constant 0 : i32
        %eq3A_128 = arith.cmpi eq, %scan3A_121, %eq3A_127 : i32
        %eq3A_129 = arith.constant 199 : i32
        %eq3A_130 = arith.cmpi eq, %scan3A_121, %eq3A_129 : i32
        %add3A_131 = arith.addi %scan3A_126, %mul3A_6 : i32
        %sub3A_132 = arith.constant 1 : i32
        %sub3A_133 = arith.subi %scan3A_126, %sub3A_132 : i32
        %select_n3A_134 = arith.constant true
        %select_n3A_135 = arith.select %select_n3A_134, %sub3A_133, %scan3A_126 : i32
        %eq3A_136 = arith.constant -1 : i32
        %eq3A_137 = arith.cmpi eq, %select_n3A_135, %eq3A_136 : i32
        %select_n3A_138 = arith.constant 199 : i32
        %select_n3A_139 = arith.select %eq3A_137, %select_n3A_138, %select_n3A_135 : i32
        %add3A_140 = arith.addi %select_n3A_139, %mul3A_6 : i32
        %add3A_141 = arith.constant 1 : i32
        %add3A_142 = arith.addi %scan3A_126, %add3A_141 : i32
        %select_n3A_143 = arith.constant true
        %select_n3A_144 = arith.select %select_n3A_143, %add3A_142, %scan3A_126 : i32
        %eq3A_145 = arith.constant 200 : i32
        %eq3A_146 = arith.cmpi eq, %select_n3A_144, %eq3A_145 : i32
        %select_n3A_147 = arith.constant 0 : i32
        %select_n3A_148 = arith.select %eq3A_146, %select_n3A_147, %select_n3A_144 : i32
        %add3A_149 = arith.addi %select_n3A_148, %mul3A_6 : i32
        %add3A_150 = arith.constant 1 : i32
        %add3A_151 = arith.addi %select_n3A_148, %add3A_150 : i32
        %select_n3A_152 = arith.constant true
        %select_n3A_153 = arith.select %select_n3A_152, %add3A_151, %select_n3A_148 : i32
        %eq3A_154 = arith.constant 200 : i32
        %eq3A_155 = arith.cmpi eq, %select_n3A_153, %eq3A_154 : i32
        %select_n3A_156 = arith.constant 0 : i32
        %select_n3A_157 = arith.select %eq3A_155, %select_n3A_156, %select_n3A_153 : i32
        %add3A_158 = arith.addi %select_n3A_157, %mul3A_6 : i32
        %ne3A = arith.cmpi ne, %add3A_131, %add3A_149 : i32
        %or3A = arith.constant false
        %or3A_159 = arith.ori %or3A, %ne3A : i1
        %ge3A = arith.constant 199 : i32
        %ge3A_160 = arith.cmpi sge, %scan3A_121, %ge3A : i32
        %not3A = arith.constant true
        %not3A_161 = arith.xori %ge3A_160, %not3A : i1
        %and3A = arith.andi %or3A_159, %not3A_161 : i1
        %convert_element_type3A = arith.extui %and3A : i1 to i32
        %cond3A = arith.constant 0 : i32
        %cond3A_162 = arith.cmpi ne, %convert_element_type3A, %cond3A : i32
        scf.if %cond3A_162 {
          "tpu.trace_start"() <{level = 10 : i32, message = "ep_copy_in"}> : () -> ()
          %rem3A_269 = arith.constant 2 : i32
          %rem3A_270 = arith.remui %scan3A_122, %rem3A_269 : i32
          %mul3A_271 = arith.constant 256 : i32
          %mul3A_272 = arith.muli %mul3A_271, %add3A_149 : i32
          %dma_start3A_273 = arith.constant 0 : i32
          %dma_start3A_274 = arith.constant 0 : i32
          %dma_start3A_275 = tpu.memref_slice %run_scoped3A[%rem3A_270, %dma_start3A_273, %dma_start3A_274] : memref<2x1x256xi32, #tpu.memory_space<vmem>> -> memref<1x1x256xi32, #tpu.memory_space<vmem>>
          %dma_start3A_276 = tpu.memref_squeeze %dma_start3A_275 : memref<1x1x256xi32, #tpu.memory_space<vmem>> -> memref<1x256xi32, #tpu.memory_space<vmem>>
          %dma_start3A_277 = arith.constant 0 : i32
          %dma_start3A_278 = tpu.memref_slice %arg3[%dma_start3A_277, %mul3A_272] : memref<1x1638400xi32, #tpu.memory_space<hbm>> -> memref<1x256xi32, #tpu.memory_space<hbm>>
          %dma_start3A_279 = tpu.memref_slice %run_scoped3A_7[%rem3A_270] : memref<2x!tpu.dma_semaphore, #tpu.memory_space<semaphore_mem>> -> memref<1x!tpu.dma_semaphore, #tpu.memory_space<semaphore_mem>>
          %dma_start3A_280 = tpu.memref_squeeze %dma_start3A_279 : memref<1x!tpu.dma_semaphore, #tpu.memory_space<semaphore_mem>> -> memref<!tpu.dma_semaphore, #tpu.memory_space<semaphore_mem>>
          %dma_start3A_281 = arith.constant 0 : i32
          %dma_start3A_282 = arith.constant 0 : i32
          %dma_start3A_283 = tpu.memref_slice %run_scoped3A[%rem3A_270, %dma_start3A_281, %dma_start3A_282] : memref<2x1x256xi32, #tpu.memory_space<vmem>> -> memref<1x1x256xi32, #tpu.memory_space<vmem>>
          %dma_start3A_284 = tpu.memref_squeeze %dma_start3A_283 : memref<1x1x256xi32, #tpu.memory_space<vmem>> -> memref<1x256xi32, #tpu.memory_space<vmem>>
          %dma_start3A_285 = arith.constant 0 : i32
          %dma_start3A_286 = tpu.memref_slice %arg3[%dma_start3A_285, %mul3A_272] : memref<1x1638400xi32, #tpu.memory_space<hbm>> -> memref<1x256xi32, #tpu.memory_space<hbm>>
          tpu.enqueue_dma source(%dma_start3A_286 : memref<1x256xi32, #tpu.memory_space<hbm>>) target(%dma_start3A_284 : memref<1x256xi32, #tpu.memory_space<vmem>>) target_semaphore(%dma_start3A_280 : memref<!tpu.dma_semaphore, #tpu.memory_space<semaphore_mem>>)
          "tpu.trace_stop"() : () -> ()
        } else {
        }
        %and3A_163 = arith.constant true
        %and3A_164 = arith.andi %and3A, %and3A_163 : i1
        %add3A_165 = arith.constant 1 : i32
        %add3A_166 = arith.addi %scan3A_122, %add3A_165 : i32
        %select_n3A_167 = arith.select %and3A_164, %add3A_166, %scan3A_122 : i32
        %ne3A_168 = arith.cmpi ne, %add3A_131, %add3A_149 : i32
        %or3A_169 = arith.constant false
        %or3A_170 = arith.ori %or3A_169, %ne3A_168 : i1
        %or3A_171 = arith.constant false
        %or3A_172 = arith.ori %or3A_170, %or3A_171 : i1
        %ge3A_173 = arith.constant 199 : i32
        %ge3A_174 = arith.cmpi sge, %scan3A_121, %ge3A_173 : i32
        %not3A_175 = arith.constant true
        %not3A_176 = arith.xori %ge3A_174, %not3A_175 : i1
        %and3A_177 = arith.andi %or3A_172, %not3A_176 : i1
        %ne3A_178 = arith.cmpi ne, %add3A_131, %add3A_140 : i32
        %or3A_179 = arith.constant false
        %or3A_180 = arith.ori %or3A_179, %ne3A_178 : i1
        %or3A_181 = arith.ori %or3A_180, %eq3A_128 : i1
        %convert_element_type3A_182 = arith.extui %or3A_181 : i1 to i32
        %cond3A_183 = arith.constant 0 : i32
        %cond3A_184 = arith.cmpi ne, %convert_element_type3A_182, %cond3A_183 : i32
        scf.if %cond3A_184 {
          "tpu.trace_start"() <{level = 10 : i32, message = "ep_wait_in"}> : () -> ()
          %mul3A_269 = arith.constant 256 : i32
          %mul3A_270 = arith.muli %mul3A_269, %add3A_131 : i32
          %rem3A_271 = arith.constant 2 : i32
          %rem3A_272 = arith.remui %scan3A_123, %rem3A_271 : i32
          %dma_wait3A_273 = arith.constant 0 : i32
          %dma_wait3A_274 = arith.constant 0 : i32
          %dma_wait3A_275 = tpu.memref_slice %run_scoped3A[%rem3A_272, %dma_wait3A_273, %dma_wait3A_274] : memref<2x1x256xi32, #tpu.memory_space<vmem>> -> memref<1x1x256xi32, #tpu.memory_space<vmem>>
          %dma_wait3A_276 = tpu.memref_squeeze %dma_wait3A_275 : memref<1x1x256xi32, #tpu.memory_space<vmem>> -> memref<1x256xi32, #tpu.memory_space<vmem>>
          %dma_wait3A_277 = arith.constant 0 : i32
          %dma_wait3A_278 = tpu.memref_slice %arg3[%dma_wait3A_277, %mul3A_270] : memref<1x1638400xi32, #tpu.memory_space<hbm>> -> memref<1x256xi32, #tpu.memory_space<hbm>>
          %dma_wait3A_279 = tpu.memref_slice %run_scoped3A_7[%rem3A_272] : memref<2x!tpu.dma_semaphore, #tpu.memory_space<semaphore_mem>> -> memref<1x!tpu.dma_semaphore, #tpu.memory_space<semaphore_mem>>
          %dma_wait3A_280 = tpu.memref_squeeze %dma_wait3A_279 : memref<1x!tpu.dma_semaphore, #tpu.memory_space<semaphore_mem>> -> memref<!tpu.dma_semaphore, #tpu.memory_space<semaphore_mem>>
          %dma_wait3A_281 = arith.constant 0 : i32
          %dma_wait3A_282 = arith.constant 0 : i32
          %dma_wait3A_283 = tpu.memref_slice %run_scoped3A[%rem3A_272, %dma_wait3A_281, %dma_wait3A_282] : memref<2x1x256xi32, #tpu.memory_space<vmem>> -> memref<1x1x256xi32, #tpu.memory_space<vmem>>
          %dma_wait3A_284 = tpu.memref_squeeze %dma_wait3A_283 : memref<1x1x256xi32, #tpu.memory_space<vmem>> -> memref<1x256xi32, #tpu.memory_space<vmem>>
          %dma_wait3A_285 = arith.constant 0 : i32
          %dma_wait3A_286 = tpu.memref_slice %arg3[%dma_wait3A_285, %mul3A_270] : memref<1x1638400xi32, #tpu.memory_space<hbm>> -> memref<1x256xi32, #tpu.memory_space<hbm>>
          tpu.wait_dma2 semaphore(%dma_wait3A_280 : memref<!tpu.dma_semaphore, #tpu.memory_space<semaphore_mem>>) src(%dma_wait3A_286 : memref<1x256xi32, #tpu.memory_space<hbm>>) dst(%dma_wait3A_284 : memref<1x256xi32, #tpu.memory_space<vmem>>)
          "tpu.trace_stop"() : () -> ()
        } else {
        }
        %ne3A_185 = arith.cmpi ne, %add3A_131, %add3A_140 : i32
        %or3A_186 = arith.constant false
        %or3A_187 = arith.ori %or3A_186, %ne3A_185 : i1
        %or3A_188 = arith.constant false
        %or3A_189 = arith.ori %or3A_187, %or3A_188 : i1
        %or3A_190 = arith.ori %or3A_189, %eq3A_128 : i1
        %convert_element_type3A_191 = arith.extui %or3A_190 : i1 to i32
        %cond3A_192 = arith.constant 0 : i32
        %cond3A_193 = arith.cmpi ne, %convert_element_type3A_191, %cond3A_192 : i32
        scf.if %cond3A_193 {
        } else {
        }
        %rem3A_194 = arith.constant 2 : i32
        %rem3A_195 = arith.remui %scan3A_123, %rem3A_194 : i32
        %rem3A_196 = arith.constant 2 : i32
        %rem3A_197 = arith.remui %scan3A_124, %rem3A_196 : i32
        %run_scoped3A_198 = arith.constant 0 : i32
        "tpu.trace_start"() <{level = 10 : i32, message = "ep_run_kernel"}> : () -> ()
        "tpu.region"() ({
          %run_scoped3A_269 = tpu.sem_alloc : memref<!tpu.dma_semaphore, #tpu.memory_space<semaphore_mem>>
          %dma_start3A_270 = arith.constant 0 : i32
          %dma_start3A_271 = arith.constant 0 : i32
          %dma_start3A_272 = tpu.memref_slice %run_scoped3A[%rem3A_195, %dma_start3A_270, %dma_start3A_271] : memref<2x1x256xi32, #tpu.memory_space<vmem>> -> memref<1x1x256xi32, #tpu.memory_space<vmem>>
          %dma_start3A_273 = tpu.memref_squeeze %dma_start3A_272 : memref<1x1x256xi32, #tpu.memory_space<vmem>> -> memref<1x256xi32, #tpu.memory_space<vmem>>
          %dma_start3A_274 = arith.constant 0 : i32
          %dma_start3A_275 = tpu.memref_slice %dma_start3A_273[%run_scoped3A_198, %dma_start3A_274] : memref<1x256xi32, #tpu.memory_space<vmem>> -> memref<1x256xi32, #tpu.memory_space<vmem>>
          %dma_start3A_276 = tpu.memref_squeeze %dma_start3A_275 : memref<1x256xi32, #tpu.memory_space<vmem>> -> memref<256xi32, #tpu.memory_space<vmem>>
          %dma_start3A_277 = arith.constant 0 : i32
          %dma_start3A_278 = arith.constant 0 : i32
          %dma_start3A_279 = tpu.memref_slice %arg2[%dma_start3A_277, %dma_start3A_278] : memref<50000x128xf32, #tpu.memory_space<hbm>> -> memref<50000x128xf32, #tpu.memory_space<hbm>>
          tpu.enqueue_indirect_dma source(%dma_start3A_279 : memref<50000x128xf32, #tpu.memory_space<hbm>>) target(%arg5 : memref<256x128xf32, #tpu.memory_space<vmem>>) offsets(%dma_start3A_276 : memref<256xi32, #tpu.memory_space<vmem>>) semaphore(%run_scoped3A_269 : memref<!tpu.dma_semaphore, #tpu.memory_space<semaphore_mem>>)
          %dma_wait3A_280 = arith.constant 0 : i32
          %dma_wait3A_281 = arith.constant 0 : i32
          %dma_wait3A_282 = tpu.memref_slice %run_scoped3A[%rem3A_195, %dma_wait3A_280, %dma_wait3A_281] : memref<2x1x256xi32, #tpu.memory_space<vmem>> -> memref<1x1x256xi32, #tpu.memory_space<vmem>>
          %dma_wait3A_283 = tpu.memref_squeeze %dma_wait3A_282 : memref<1x1x256xi32, #tpu.memory_space<vmem>> -> memref<1x256xi32, #tpu.memory_space<vmem>>
          %dma_wait3A_284 = arith.constant 0 : i32
          %dma_wait3A_285 = tpu.memref_slice %dma_wait3A_283[%run_scoped3A_198, %dma_wait3A_284] : memref<1x256xi32, #tpu.memory_space<vmem>> -> memref<1x256xi32, #tpu.memory_space<vmem>>
          %dma_wait3A_286 = tpu.memref_squeeze %dma_wait3A_285 : memref<1x256xi32, #tpu.memory_space<vmem>> -> memref<256xi32, #tpu.memory_space<vmem>>
          %dma_wait3A_287 = arith.constant 0 : i32
          %dma_wait3A_288 = arith.constant 0 : i32
          %dma_wait3A_289 = tpu.memref_slice %arg2[%dma_wait3A_287, %dma_wait3A_288] : memref<50000x128xf32, #tpu.memory_space<hbm>> -> memref<50000x128xf32, #tpu.memory_space<hbm>>
          tpu.wait_indirect_dma semaphore(%run_scoped3A_269 : memref<!tpu.dma_semaphore, #tpu.memory_space<semaphore_mem>>) src(%dma_wait3A_289 : memref<50000x128xf32, #tpu.memory_space<hbm>>) dst(%arg5 : memref<256x128xf32, #tpu.memory_space<vmem>>)
          tpu.yield
        }) : () -> ()
        %scan3A_199 = arith.constant 0 : i32
        %scan3A_200 = arith.constant 256 : i32
        %scan3A_201 = arith.addi %scan3A_199, %scan3A_200 : i32
        %scan3A_202 = arith.constant 1 : i32
        scf.for %scan3A_269 = %scan3A_199 to %scan3A_201 step %scan3A_202  : i32 {
          %mul3A_270 = arith.constant 1 : i32
          %mul3A_271 = arith.muli %scan3A_269, %mul3A_270 : i32
          %add3A_272 = arith.constant 0 : i32
          %add3A_273 = arith.addi %add3A_272, %mul3A_271 : i32
          %get3A = arith.index_cast %add3A_273 : i32 to index
          %get3A_274 = arith.constant 0 : index
          %get3A_275 = tpu.vector_load %arg5[%get3A, %get3A_274] {strides = array<i32>} : memref<256x128xf32, #tpu.memory_space<vmem>>, vector<1x16xf32>,
          %get3A_276 = vector.shape_cast %get3A_275 : vector<1x16xf32> to vector<16xf32>
          %swap3A = arith.constant 0 : i32
          %swap3A_277 = arith.constant 0 : i32
          %swap3A_278 = tpu.memref_slice %run_scoped3A_8[%rem3A_197, %swap3A, %swap3A_277] : memref<2x256x16xf32, #tpu.memory_space<vmem>> -> memref<1x256x16xf32, #tpu.memory_space<vmem>>
          %swap3A_279 = tpu.memref_squeeze %swap3A_278 : memref<1x256x16xf32, #tpu.memory_space<vmem>> -> memref<256x16xf32, #tpu.memory_space<vmem>>
          %swap3A_280 = arith.index_cast %add3A_273 : i32 to index
          %swap3A_281 = arith.constant 0 : index
          %swap3A_282 = tpu.vector_load %swap3A_279[%swap3A_280, %swap3A_281] {strides = array<i32>} : memref<256x16xf32, #tpu.memory_space<vmem>>, vector<1x16xf32>,
          %swap3A_283 = vector.shape_cast %swap3A_282 : vector<1x16xf32> to vector<16xf32>
          %swap3A_284 = vector.shape_cast %get3A_276 : vector<16xf32> to vector<1x16xf32>
          tpu.vector_store %swap3A_279[%swap3A_280, %swap3A_281], %swap3A_284 {strides = array<i32>} : memref<256x16xf32, #tpu.memory_space<vmem>>, vector<1x16xf32>,
        }
        %scan3A_203 = arith.constant 256 : i32
        "tpu.trace_stop"() : () -> ()
        %ne3A_204 = arith.cmpi ne, %add3A_131, %add3A_149 : i32
        %or3A_205 = arith.constant false
        %or3A_206 = arith.ori %or3A_205, %ne3A_204 : i1
        %or3A_207 = arith.ori %or3A_206, %eq3A_130 : i1
        %convert_element_type3A_208 = arith.extui %or3A_207 : i1 to i32
        %cond3A_209 = arith.constant 0 : i32
        %cond3A_210 = arith.cmpi ne, %convert_element_type3A_208, %cond3A_209 : i32
        scf.if %cond3A_210 {
        } else {
        }
        %and3A_211 = arith.constant false
        %and3A_212 = arith.andi %or3A_207, %and3A_211 : i1
        %ne3A_213 = arith.cmpi ne, %add3A_131, %add3A_149 : i32
        %or3A_214 = arith.constant false
        %or3A_215 = arith.ori %or3A_214, %ne3A_213 : i1
        %or3A_216 = arith.constant false
        %or3A_217 = arith.ori %or3A_215, %or3A_216 : i1
        %or3A_218 = arith.ori %or3A_217, %eq3A_130 : i1
        %convert_element_type3A_219 = arith.extui %or3A_218 : i1 to i32
        %cond3A_220 = arith.constant 0 : i32
        %cond3A_221 = arith.cmpi ne, %convert_element_type3A_219, %cond3A_220 : i32
        scf.if %cond3A_221 {
          "tpu.trace_start"() <{level = 10 : i32, message = "ep_copy_out"}> : () -> ()
          %rem3A_269 = arith.constant 2 : i32
          %rem3A_270 = arith.remui %scan3A_124, %rem3A_269 : i32
          %mul3A_271 = arith.constant 256 : i32
          %mul3A_272 = arith.muli %mul3A_271, %add3A_131 : i32
          %dma_start3A_273 = arith.constant 0 : i32
          %dma_start3A_274 = arith.constant 0 : i32
          %dma_start3A_275 = tpu.memref_slice %run_scoped3A_8[%rem3A_270, %dma_start3A_273, %dma_start3A_274] : memref<2x256x16xf32, #tpu.memory_space<vmem>> -> memref<1x256x16xf32, #tpu.memory_space<vmem>>
          %dma_start3A_276 = tpu.memref_squeeze %dma_start3A_275 : memref<1x256x16xf32, #tpu.memory_space<vmem>> -> memref<256x16xf32, #tpu.memory_space<vmem>>
          %dma_start3A_277 = arith.constant 0 : i32
          %dma_start3A_278 = tpu.memref_slice %arg4[%mul3A_272, %dma_start3A_277] : memref<1638400x16xf32, #tpu.memory_space<hbm>> -> memref<256x16xf32, #tpu.memory_space<hbm>>
          %dma_start3A_279 = tpu.memref_slice %run_scoped3A_9[%rem3A_270] : memref<2x!tpu.dma_semaphore, #tpu.memory_space<semaphore_mem>> -> memref<1x!tpu.dma_semaphore, #tpu.memory_space<semaphore_mem>>
          %dma_start3A_280 = tpu.memref_squeeze %dma_start3A_279 : memref<1x!tpu.dma_semaphore, #tpu.memory_space<semaphore_mem>> -> memref<!tpu.dma_semaphore, #tpu.memory_space<semaphore_mem>>
          %dma_start3A_281 = arith.constant 0 : i32
          %dma_start3A_282 = tpu.memref_slice %arg4[%mul3A_272, %dma_start3A_281] : memref<1638400x16xf32, #tpu.memory_space<hbm>> -> memref<256x16xf32, #tpu.memory_space<hbm>>
          %dma_start3A_283 = arith.constant 0 : i32
          %dma_start3A_284 = arith.constant 0 : i32
          %dma_start3A_285 = tpu.memref_slice %run_scoped3A_8[%rem3A_270, %dma_start3A_283, %dma_start3A_284] : memref<2x256x16xf32, #tpu.memory_space<vmem>> -> memref<1x256x16xf32, #tpu.memory_space<vmem>>
          %dma_start3A_286 = tpu.memref_squeeze %dma_start3A_285 : memref<1x256x16xf32, #tpu.memory_space<vmem>> -> memref<256x16xf32, #tpu.memory_space<vmem>>
          tpu.enqueue_dma source(%dma_start3A_286 : memref<256x16xf32, #tpu.memory_space<vmem>>) target(%dma_start3A_282 : memref<256x16xf32, #tpu.memory_space<hbm>>) target_semaphore(%dma_start3A_280 : memref<!tpu.dma_semaphore, #tpu.memory_space<semaphore_mem>>)
          "tpu.trace_stop"() : () -> ()
        } else {
        }
        %and3A_222 = arith.constant true
        %and3A_223 = arith.andi %or3A_218, %and3A_222 : i1
        %add3A_224 = arith.constant 1 : i32
        %add3A_225 = arith.addi %scan3A_124, %add3A_224 : i32
        %select_n3A_226 = arith.select %and3A_223, %add3A_225, %scan3A_124 : i32
        %ne3A_227 = arith.cmpi ne, %add3A_131, %add3A_140 : i32
        %or3A_228 = arith.constant false
        %or3A_229 = arith.ori %or3A_228, %ne3A_227 : i1
        %not3A_230 = arith.constant true
        %not3A_231 = arith.xori %eq3A_128, %not3A_230 : i1
        %and3A_232 = arith.andi %or3A_229, %not3A_231 : i1
        %convert_element_type3A_233 = arith.extui %and3A_232 : i1 to i32
        %cond3A_234 = arith.constant 0 : i32
        %cond3A_235 = arith.cmpi ne, %convert_element_type3A_233, %cond3A_234 : i32
        scf.if %cond3A_235 {
        } else {
        }
        %and3A_236 = arith.constant false
        %and3A_237 = arith.andi %and3A_232, %and3A_236 : i1
        %ne3A_238 = arith.cmpi ne, %add3A_131, %add3A_140 : i32
        %or3A_239 = arith.constant false
        %or3A_240 = arith.ori %or3A_239, %ne3A_238 : i1
        %or3A_241 = arith.constant false
        %or3A_242 = arith.ori %or3A_240, %or3A_241 : i1
        %not3A_243 = arith.constant true
        %not3A_244 = arith.xori %eq3A_128, %not3A_243 : i1
        %and3A_245 = arith.andi %or3A_242, %not3A_244 : i1
        %convert_element_type3A_246 = arith.extui %and3A_245 : i1 to i32
        %cond3A_247 = arith.constant 0 : i32
        %cond3A_248 = arith.cmpi ne, %convert_element_type3A_246, %cond3A_247 : i32
        scf.if %cond3A_248 {
          "tpu.trace_start"() <{level = 10 : i32, message = "ep_wait_out"}> : () -> ()
          %rem3A_269 = arith.constant 2 : i32
          %rem3A_270 = arith.remui %scan3A_125, %rem3A_269 : i32
          %mul3A_271 = arith.constant 256 : i32
          %mul3A_272 = arith.muli %mul3A_271, %add3A_140 : i32
          %dma_wait3A_273 = arith.constant 0 : i32
          %dma_wait3A_274 = arith.constant 0 : i32
          %dma_wait3A_275 = tpu.memref_slice %run_scoped3A_8[%rem3A_270, %dma_wait3A_273, %dma_wait3A_274] : memref<2x256x16xf32, #tpu.memory_space<vmem>> -> memref<1x256x16xf32, #tpu.memory_space<vmem>>
          %dma_wait3A_276 = tpu.memref_squeeze %dma_wait3A_275 : memref<1x256x16xf32, #tpu.memory_space<vmem>> -> memref<256x16xf32, #tpu.memory_space<vmem>>
          %dma_wait3A_277 = arith.constant 0 : i32
          %dma_wait3A_278 = tpu.memref_slice %arg4[%mul3A_272, %dma_wait3A_277] : memref<1638400x16xf32, #tpu.memory_space<hbm>> -> memref<256x16xf32, #tpu.memory_space<hbm>>
          %dma_wait3A_279 = tpu.memref_slice %run_scoped3A_9[%rem3A_270] : memref<2x!tpu.dma_semaphore, #tpu.memory_space<semaphore_mem>> -> memref<1x!tpu.dma_semaphore, #tpu.memory_space<semaphore_mem>>
          %dma_wait3A_280 = tpu.memref_squeeze %dma_wait3A_279 : memref<1x!tpu.dma_semaphore, #tpu.memory_space<semaphore_mem>> -> memref<!tpu.dma_semaphore, #tpu.memory_space<semaphore_mem>>
          %dma_wait3A_281 = arith.constant 0 : i32
          %dma_wait3A_282 = tpu.memref_slice %arg4[%mul3A_272, %dma_wait3A_281] : memref<1638400x16xf32, #tpu.memory_space<hbm>> -> memref<256x16xf32, #tpu.memory_space<hbm>>
          %dma_wait3A_283 = arith.constant 0 : i32
          %dma_wait3A_284 = arith.constant 0 : i32
          %dma_wait3A_285 = tpu.memref_slice %run_scoped3A_8[%rem3A_270, %dma_wait3A_283, %dma_wait3A_284] : memref<2x256x16xf32, #tpu.memory_space<vmem>> -> memref<1x256x16xf32, #tpu.memory_space<vmem>>
          %dma_wait3A_286 = tpu.memref_squeeze %dma_wait3A_285 : memref<1x256x16xf32, #tpu.memory_space<vmem>> -> memref<256x16xf32, #tpu.memory_space<vmem>>
          tpu.wait_dma2 semaphore(%dma_wait3A_280 : memref<!tpu.dma_semaphore, #tpu.memory_space<semaphore_mem>>) src(%dma_wait3A_286 : memref<256x16xf32, #tpu.memory_space<vmem>>) dst(%dma_wait3A_282 : memref<256x16xf32, #tpu.memory_space<hbm>>)
          "tpu.trace_stop"() : () -> ()
        } else {
        }
        %and3A_249 = arith.constant true
        %and3A_250 = arith.andi %and3A_245, %and3A_249 : i1
        %add3A_251 = arith.constant 1 : i32
        %add3A_252 = arith.addi %scan3A_125, %add3A_251 : i32
        %select_n3A_253 = arith.select %and3A_250, %add3A_252, %scan3A_125 : i32
        %ne3A_254 = arith.cmpi ne, %add3A_131, %add3A_149 : i32
        %or3A_255 = arith.constant false
        %or3A_256 = arith.ori %or3A_255, %ne3A_254 : i1
        %or3A_257 = arith.ori %or3A_256, %eq3A_130 : i1
        %add3A_258 = arith.constant 1 : i32
        %add3A_259 = arith.addi %scan3A_123, %add3A_258 : i32
        %select_n3A_260 = arith.select %or3A_257, %add3A_259, %scan3A_123 : i32
        %add3A_261 = arith.constant 1 : i32
        %add3A_262 = arith.addi %scan3A_126, %add3A_261 : i32
        %select_n3A_263 = arith.constant true
        %select_n3A_264 = arith.select %select_n3A_263, %add3A_262, %scan3A_126 : i32
        %eq3A_265 = arith.constant 200 : i32
        %eq3A_266 = arith.cmpi eq, %select_n3A_264, %eq3A_265 : i32
        %select_n3A_267 = arith.constant 0 : i32
        %select_n3A_268 = arith.select %eq3A_266, %select_n3A_267, %select_n3A_264 : i32
        scf.yield %select_n3A_167, %select_n3A_260, %select_n3A_226, %select_n3A_253, %select_n3A_268 : i32, i32, i32, i32, i32
      }
      %scan3A_68 = arith.constant 200 : i32
      %sub3A = arith.constant 1 : i32
      %sub3A_69 = arith.subi %scan3A_67#4, %sub3A : i32
      %select_n3A_70 = arith.constant true
      %select_n3A_71 = arith.select %select_n3A_70, %sub3A_69, %scan3A_67#4 : i32
      %eq3A_72 = arith.constant -1 : i32
      %eq3A_73 = arith.cmpi eq, %select_n3A_71, %eq3A_72 : i32
      %select_n3A_74 = arith.constant 199 : i32
      %select_n3A_75 = arith.select %eq3A_73, %select_n3A_74, %select_n3A_71 : i32
      %add3A_76 = arith.addi %select_n3A_75, %mul3A_6 : i32
      %sub3A_77 = arith.constant 1 : i32
      %sub3A_78 = arith.subi %select_n3A_75, %sub3A_77 : i32
      %select_n3A_79 = arith.constant true
      %select_n3A_80 = arith.select %select_n3A_79, %sub3A_78, %select_n3A_75 : i32
      %eq3A_81 = arith.constant -1 : i32
      %eq3A_82 = arith.cmpi eq, %select_n3A_80, %eq3A_81 : i32
      %select_n3A_83 = arith.constant 199 : i32
      %select_n3A_84 = arith.select %eq3A_82, %select_n3A_83, %select_n3A_80 : i32
      %add3A_85 = arith.addi %select_n3A_84, %mul3A_6 : i32
      %add3A_86 = arith.constant 1 : i32
      %add3A_87 = arith.addi %select_n3A_75, %add3A_86 : i32
      %select_n3A_88 = arith.constant true
      %select_n3A_89 = arith.select %select_n3A_88, %add3A_87, %select_n3A_75 : i32
      %eq3A_90 = arith.constant 200 : i32
      %eq3A_91 = arith.cmpi eq, %select_n3A_89, %eq3A_90 : i32
      %select_n3A_92 = arith.constant 0 : i32
      %select_n3A_93 = arith.select %eq3A_91, %select_n3A_92, %select_n3A_89 : i32
      %add3A_94 = arith.addi %select_n3A_93, %mul3A_6 : i32
      %add3A_95 = arith.constant 1 : i32
      %add3A_96 = arith.addi %select_n3A_93, %add3A_95 : i32
      %select_n3A_97 = arith.constant true
      %select_n3A_98 = arith.select %select_n3A_97, %add3A_96, %select_n3A_93 : i32
      %eq3A_99 = arith.constant 200 : i32
      %eq3A_100 = arith.cmpi eq, %select_n3A_98, %eq3A_99 : i32
      %select_n3A_101 = arith.constant 0 : i32
      %select_n3A_102 = arith.select %eq3A_100, %select_n3A_101, %select_n3A_98 : i32
      %add3A_103 = arith.addi %select_n3A_102, %mul3A_6 : i32
      "tpu.trace_start"() <{level = 10 : i32, message = "ep_finalize"}> : () -> ()
      %rem3A_104 = arith.constant 2 : i32
      %rem3A_105 = arith.remui %scan3A_67#3, %rem3A_104 : i32
      %mul3A_106 = arith.constant 256 : i32
      %mul3A_107 = arith.muli %mul3A_106, %add3A_76 : i32
      %dma_wait3A = arith.constant 0 : i32
      %dma_wait3A_108 = arith.constant 0 : i32
      %dma_wait3A_109 = tpu.memref_slice %run_scoped3A_8[%rem3A_105, %dma_wait3A, %dma_wait3A_108] : memref<2x256x16xf32, #tpu.memory_space<vmem>> -> memref<1x256x16xf32, #tpu.memory_space<vmem>>
      %dma_wait3A_110 = tpu.memref_squeeze %dma_wait3A_109 : memref<1x256x16xf32, #tpu.memory_space<vmem>> -> memref<256x16xf32, #tpu.memory_space<vmem>>
      %dma_wait3A_111 = arith.constant 0 : i32
      %dma_wait3A_112 = tpu.memref_slice %arg4[%mul3A_107, %dma_wait3A_111] : memref<1638400x16xf32, #tpu.memory_space<hbm>> -> memref<256x16xf32, #tpu.memory_space<hbm>>
      %dma_wait3A_113 = tpu.memref_slice %run_scoped3A_9[%rem3A_105] : memref<2x!tpu.dma_semaphore, #tpu.memory_space<semaphore_mem>> -> memref<1x!tpu.dma_semaphore, #tpu.memory_space<semaphore_mem>>
      %dma_wait3A_114 = tpu.memref_squeeze %dma_wait3A_113 : memref<1x!tpu.dma_semaphore, #tpu.memory_space<semaphore_mem>> -> memref<!tpu.dma_semaphore, #tpu.memory_space<semaphore_mem>>
      %dma_wait3A_115 = arith.constant 0 : i32
      %dma_wait3A_116 = tpu.memref_slice %arg4[%mul3A_107, %dma_wait3A_115] : memref<1638400x16xf32, #tpu.memory_space<hbm>> -> memref<256x16xf32, #tpu.memory_space<hbm>>
      %dma_wait3A_117 = arith.constant 0 : i32
      %dma_wait3A_118 = arith.constant 0 : i32
      %dma_wait3A_119 = tpu.memref_slice %run_scoped3A_8[%rem3A_105, %dma_wait3A_117, %dma_wait3A_118] : memref<2x256x16xf32, #tpu.memory_space<vmem>> -> memref<1x256x16xf32, #tpu.memory_space<vmem>>
      %dma_wait3A_120 = tpu.memref_squeeze %dma_wait3A_119 : memref<1x256x16xf32, #tpu.memory_space<vmem>> -> memref<256x16xf32, #tpu.memory_space<vmem>>
      tpu.wait_dma2 semaphore(%dma_wait3A_114 : memref<!tpu.dma_semaphore, #tpu.memory_space<semaphore_mem>>) src(%dma_wait3A_120 : memref<256x16xf32, #tpu.memory_space<vmem>>) dst(%dma_wait3A_116 : memref<256x16xf32, #tpu.memory_space<hbm>>)
      "tpu.trace_stop"() : () -> ()
      tpu.yield
    }) : () -> ()
    return
  }
}

module attributes {stable_mosaic.version = 14 : i64} {
  func.func @_dense_body(%arg0: i32, %arg1: memref<2000x16xf32, #tpu.memory_space<vmem>>, %arg2: memref<2000x16xf32, #tpu.memory_space<vmem>>, %arg3: memref<2000x16xf32, #tpu.memory_space<vmem>>, %arg4: memref<2000x9xf32, #tpu.memory_space<vmem>>, %arg5: memref<2000x16xi32, #tpu.memory_space<vmem>>, %arg6: memref<48x48xf32, #tpu.memory_space<vmem>>, %arg7: memref<1x48xf32, #tpu.memory_space<vmem>>, %arg8: memref<48x144xf32, #tpu.memory_space<vmem>>, %arg9: memref<1x144xf32, #tpu.memory_space<vmem>>, %arg10: memref<144x16xf32, #tpu.memory_space<vmem>>, %arg11: memref<1x16xf32, #tpu.memory_space<vmem>>, %arg12: memref<2000x128xf32, #tpu.memory_space<vmem>>) attributes {dimension_semantics = [#tpu.dimension_semantics<arbitrary>], iteration_bounds = array<i64: 400>, scalar_prefetch = 0 : i64, scratch_operands = 0 : i64, tpu.core_type = #tpu.core_type<tc>, window_params = [{transform_indices = @transform_0, window_bounds = array<i64: 2000, 16>}, {transform_indices = @transform_1, window_bounds = array<i64: 2000, 16>}, {transform_indices = @transform_2, window_bounds = array<i64: 2000, 16>}, {transform_indices = @transform_3, window_bounds = array<i64: 2000, 9>}, {transform_indices = @transform_4, window_bounds = array<i64: 2000, 16>}, {pipeline_mode = #tpu.pipeline_mode<synchronous>, transform_indices = @transform_5, window_bounds = array<i64: 48, 48>}, {pipeline_mode = #tpu.pipeline_mode<synchronous>, transform_indices = @transform_6, window_bounds = array<i64: 1, 48>}, {pipeline_mode = #tpu.pipeline_mode<synchronous>, transform_indices = @transform_7, window_bounds = array<i64: 48, 144>}, {pipeline_mode = #tpu.pipeline_mode<synchronous>, transform_indices = @transform_8, window_bounds = array<i64: 1, 144>}, {pipeline_mode = #tpu.pipeline_mode<synchronous>, transform_indices = @transform_9, window_bounds = array<i64: 144, 16>}, {pipeline_mode = #tpu.pipeline_mode<synchronous>, transform_indices = @transform_10, window_bounds = array<i64: 1, 16>}, {transform_indices = @transform_11, window_bounds = array<i64: 2000, 128>}]} {
    %get3A = arith.constant 0 : index
    %get3A_0 = arith.constant 0 : index
    %get3A_1 = vector.load %arg2[%get3A, %get3A_0] : memref<2000x16xf32, #tpu.memory_space<vmem>>, vector<2000x16xf32>
    %get3A_2 = arith.constant 0 : index
    %get3A_3 = arith.constant 0 : index
    %get3A_4 = vector.load %arg4[%get3A_2, %get3A_3] : memref<2000x9xf32, #tpu.memory_space<vmem>>, vector<2000x9xf32>
    %get3A_5 = arith.constant 0 : index
    %get3A_6 = arith.constant 0 : index
    %get3A_7 = vector.load %arg1[%get3A_5, %get3A_6] : memref<2000x16xf32, #tpu.memory_space<vmem>>, vector<2000x16xf32>
    %get3A_8 = arith.constant 0 : index
    %get3A_9 = arith.constant 0 : index
    %get3A_10 = vector.load %arg3[%get3A_8, %get3A_9] : memref<2000x16xf32, #tpu.memory_space<vmem>>, vector<2000x16xf32>
    %concatenate3A = tpu.concatenate %get3A_7, %get3A_1, %get3A_10 in 1 : vector<2000x16xf32>, vector<2000x16xf32>, vector<2000x16xf32> -> vector<2000x48xf32>
    %get3A_11 = arith.constant 0 : index
    %get3A_12 = arith.constant 0 : index
    %get3A_13 = vector.load %arg6[%get3A_11, %get3A_12] : memref<48x48xf32, #tpu.memory_space<vmem>>, vector<48x48xf32>
    %dot_general3A = arith.constant dense<0.000000e+00> : vector<2000x48xf32>
    %dot_general3A_14 = tpu.matmul %concatenate3A, %get3A_13, %dot_general3A {dimension_numbers = #tpu.dot_dimension_numbers<[1], [0], [0], [1], [0, 0, 1, 1], [], []>, transpose_lhs_hint = false} : vector<2000x48xf32>, vector<48x48xf32>, vector<2000x48xf32> -> vector<2000x48xf32>
    %get3A_15 = arith.constant 0 : index
    %get3A_16 = arith.constant 0 : index
    %get3A_17 = vector.load %arg7[%get3A_15, %get3A_16] : memref<1x48xf32, #tpu.memory_space<vmem>>, vector<1x48xf32>
    %add3A = vector.broadcast %get3A_17 : vector<1x48xf32> to vector<2000x48xf32>
    %add3A_18 = arith.addf %dot_general3A_14, %add3A : vector<2000x48xf32>
    %max3A = arith.constant 0.000000e+00 : f32
    %max3A_19 = vector.broadcast %max3A : f32 to vector<2000x48xf32>
    %max3A_20 = arith.maximumf %add3A_18, %max3A_19 : vector<2000x48xf32>
    %get3A_21 = arith.constant 0 : index
    %get3A_22 = arith.constant 0 : index
    %get3A_23 = vector.load %arg8[%get3A_21, %get3A_22] : memref<48x144xf32, #tpu.memory_space<vmem>>, vector<48x144xf32>
    %dot_general3A_24 = arith.constant dense<0.000000e+00> : vector<2000x144xf32>
    %dot_general3A_25 = tpu.matmul %max3A_20, %get3A_23, %dot_general3A_24 {dimension_numbers = #tpu.dot_dimension_numbers<[1], [0], [0], [1], [0, 0, 1, 1], [], []>, transpose_lhs_hint = false} : vector<2000x48xf32>, vector<48x144xf32>, vector<2000x144xf32> -> vector<2000x144xf32>
    %get3A_26 = arith.constant 0 : index
    %get3A_27 = arith.constant 0 : index
    %get3A_28 = vector.load %arg9[%get3A_26, %get3A_27] : memref<1x144xf32, #tpu.memory_space<vmem>>, vector<1x144xf32>
    %add3A_29 = vector.broadcast %get3A_28 : vector<1x144xf32> to vector<2000x144xf32>
    %add3A_30 = arith.addf %dot_general3A_25, %add3A_29 : vector<2000x144xf32>
    %slice3A = vector.extract_strided_slice %get3A_4 {offsets = [0, 0], sizes = [2000, 1], strides = [1, 1]} : vector<2000x9xf32> to vector<2000x1xf32>
    %mul3A = vector.broadcast %slice3A : vector<2000x1xf32> to vector<2000x16xf32>
    %mul3A_31 = arith.mulf %get3A_1, %mul3A : vector<2000x16xf32>
    %slice3A_32 = vector.extract_strided_slice %add3A_30 {offsets = [0, 0], sizes = [2000, 16], strides = [1, 1]} : vector<2000x144xf32> to vector<2000x16xf32>
    %mul3A_33 = arith.mulf %mul3A_31, %slice3A_32 : vector<2000x16xf32>
    %slice3A_34 = vector.extract_strided_slice %get3A_4 {offsets = [0, 1], sizes = [2000, 1], strides = [1, 1]} : vector<2000x9xf32> to vector<2000x1xf32>
    %mul3A_35 = vector.broadcast %slice3A_34 : vector<2000x1xf32> to vector<2000x16xf32>
    %mul3A_36 = arith.mulf %get3A_1, %mul3A_35 : vector<2000x16xf32>
    %slice3A_37 = vector.extract_strided_slice %add3A_30 {offsets = [0, 16], sizes = [2000, 16], strides = [1, 1]} : vector<2000x144xf32> to vector<2000x16xf32>
    %mul3A_38 = arith.mulf %mul3A_36, %slice3A_37 : vector<2000x16xf32>
    %slice3A_39 = vector.extract_strided_slice %get3A_4 {offsets = [0, 2], sizes = [2000, 1], strides = [1, 1]} : vector<2000x9xf32> to vector<2000x1xf32>
    %mul3A_40 = vector.broadcast %slice3A_39 : vector<2000x1xf32> to vector<2000x16xf32>
    %mul3A_41 = arith.mulf %get3A_1, %mul3A_40 : vector<2000x16xf32>
    %slice3A_42 = vector.extract_strided_slice %add3A_30 {offsets = [0, 32], sizes = [2000, 16], strides = [1, 1]} : vector<2000x144xf32> to vector<2000x16xf32>
    %mul3A_43 = arith.mulf %mul3A_41, %slice3A_42 : vector<2000x16xf32>
    %slice3A_44 = vector.extract_strided_slice %get3A_4 {offsets = [0, 3], sizes = [2000, 1], strides = [1, 1]} : vector<2000x9xf32> to vector<2000x1xf32>
    %mul3A_45 = vector.broadcast %slice3A_44 : vector<2000x1xf32> to vector<2000x16xf32>
    %mul3A_46 = arith.mulf %get3A_1, %mul3A_45 : vector<2000x16xf32>
    %slice3A_47 = vector.extract_strided_slice %add3A_30 {offsets = [0, 48], sizes = [2000, 16], strides = [1, 1]} : vector<2000x144xf32> to vector<2000x16xf32>
    %mul3A_48 = arith.mulf %mul3A_46, %slice3A_47 : vector<2000x16xf32>
    %slice3A_49 = vector.extract_strided_slice %get3A_4 {offsets = [0, 4], sizes = [2000, 1], strides = [1, 1]} : vector<2000x9xf32> to vector<2000x1xf32>
    %mul3A_50 = vector.broadcast %slice3A_49 : vector<2000x1xf32> to vector<2000x16xf32>
    %mul3A_51 = arith.mulf %get3A_1, %mul3A_50 : vector<2000x16xf32>
    %slice3A_52 = vector.extract_strided_slice %add3A_30 {offsets = [0, 64], sizes = [2000, 16], strides = [1, 1]} : vector<2000x144xf32> to vector<2000x16xf32>
    %mul3A_53 = arith.mulf %mul3A_51, %slice3A_52 : vector<2000x16xf32>
    %slice3A_54 = vector.extract_strided_slice %get3A_4 {offsets = [0, 5], sizes = [2000, 1], strides = [1, 1]} : vector<2000x9xf32> to vector<2000x1xf32>
    %mul3A_55 = vector.broadcast %slice3A_54 : vector<2000x1xf32> to vector<2000x16xf32>
    %mul3A_56 = arith.mulf %get3A_1, %mul3A_55 : vector<2000x16xf32>
    %slice3A_57 = vector.extract_strided_slice %add3A_30 {offsets = [0, 80], sizes = [2000, 16], strides = [1, 1]} : vector<2000x144xf32> to vector<2000x16xf32>
    %mul3A_58 = arith.mulf %mul3A_56, %slice3A_57 : vector<2000x16xf32>
    %slice3A_59 = vector.extract_strided_slice %get3A_4 {offsets = [0, 6], sizes = [2000, 1], strides = [1, 1]} : vector<2000x9xf32> to vector<2000x1xf32>
    %mul3A_60 = vector.broadcast %slice3A_59 : vector<2000x1xf32> to vector<2000x16xf32>
    %mul3A_61 = arith.mulf %get3A_1, %mul3A_60 : vector<2000x16xf32>
    %slice3A_62 = vector.extract_strided_slice %add3A_30 {offsets = [0, 96], sizes = [2000, 16], strides = [1, 1]} : vector<2000x144xf32> to vector<2000x16xf32>
    %mul3A_63 = arith.mulf %mul3A_61, %slice3A_62 : vector<2000x16xf32>
    %slice3A_64 = vector.extract_strided_slice %get3A_4 {offsets = [0, 7], sizes = [2000, 1], strides = [1, 1]} : vector<2000x9xf32> to vector<2000x1xf32>
    %mul3A_65 = vector.broadcast %slice3A_64 : vector<2000x1xf32> to vector<2000x16xf32>
    %mul3A_66 = arith.mulf %get3A_1, %mul3A_65 : vector<2000x16xf32>
    %slice3A_67 = vector.extract_strided_slice %add3A_30 {offsets = [0, 112], sizes = [2000, 16], strides = [1, 1]} : vector<2000x144xf32> to vector<2000x16xf32>
    %mul3A_68 = arith.mulf %mul3A_66, %slice3A_67 : vector<2000x16xf32>
    %slice3A_69 = vector.extract_strided_slice %get3A_4 {offsets = [0, 8], sizes = [2000, 1], strides = [1, 1]} : vector<2000x9xf32> to vector<2000x1xf32>
    %mul3A_70 = vector.broadcast %slice3A_69 : vector<2000x1xf32> to vector<2000x16xf32>
    %mul3A_71 = arith.mulf %get3A_1, %mul3A_70 : vector<2000x16xf32>
    %slice3A_72 = vector.extract_strided_slice %add3A_30 {offsets = [0, 128], sizes = [2000, 16], strides = [1, 1]} : vector<2000x144xf32> to vector<2000x16xf32>
    %mul3A_73 = arith.mulf %mul3A_71, %slice3A_72 : vector<2000x16xf32>
    %concatenate3A_74 = tpu.concatenate %mul3A_33, %mul3A_38, %mul3A_43, %mul3A_48, %mul3A_53, %mul3A_58, %mul3A_63, %mul3A_68, %mul3A_73 in 1 : vector<2000x16xf32>, vector<2000x16xf32>, vector<2000x16xf32>, vector<2000x16xf32>, vector<2000x16xf32>, vector<2000x16xf32>, vector<2000x16xf32>, vector<2000x16xf32>, vector<2000x16xf32> -> vector<2000x144xf32>
    %get3A_75 = arith.constant 0 : index
    %get3A_76 = arith.constant 0 : index
    %get3A_77 = vector.load %arg10[%get3A_75, %get3A_76] : memref<144x16xf32, #tpu.memory_space<vmem>>, vector<144x16xf32>
    %dot_general3A_78 = arith.constant dense<0.000000e+00> : vector<2000x16xf32>
    %dot_general3A_79 = tpu.matmul %concatenate3A_74, %get3A_77, %dot_general3A_78 {dimension_numbers = #tpu.dot_dimension_numbers<[1], [0], [0], [1], [0, 0, 1, 1], [], []>, transpose_lhs_hint = false} : vector<2000x144xf32>, vector<144x16xf32>, vector<2000x16xf32> -> vector<2000x16xf32>
    %get3A_80 = arith.constant 0 : index
    %get3A_81 = arith.constant 0 : index
    %get3A_82 = vector.load %arg11[%get3A_80, %get3A_81] : memref<1x16xf32, #tpu.memory_space<vmem>>, vector<1x16xf32>
    %add3A_83 = vector.broadcast %get3A_82 : vector<1x16xf32> to vector<2000x16xf32>
    %add3A_84 = arith.addf %dot_general3A_79, %add3A_83 : vector<2000x16xf32>
    %mul3A_85 = arith.constant 2.500000e-01 : f32
    %mul3A_86 = vector.broadcast %mul3A_85 : f32 to vector<2000x16xf32>
    %mul3A_87 = arith.mulf %add3A_84, %mul3A_86 : vector<2000x16xf32>
    %get3A_88 = arith.constant 0 : index
    %get3A_89 = arith.constant 0 : index
    %get3A_90 = vector.load %arg5[%get3A_88, %get3A_89] : memref<2000x16xi32, #tpu.memory_space<vmem>>, vector<2000x16xi32>
    %slice3A_91 = vector.extract_strided_slice %get3A_90 {offsets = [0, 0], sizes = [2000, 1], strides = [1, 1]} : vector<2000x16xi32> to vector<2000x1xi32>
    %iota3A = tpu.iota {dimensions = array<i32: 1>} : vector<2000x128xi32>
    %sub3A = vector.broadcast %slice3A_91 : vector<2000x1xi32> to vector<2000x128xi32>
    %sub3A_92 = arith.subi %iota3A, %sub3A : vector<2000x128xi32>
    %ge3A = arith.constant 0 : i32
    %ge3A_93 = vector.broadcast %ge3A : i32 to vector<2000x128xi32>
    %ge3A_94 = arith.cmpi sge, %sub3A_92, %ge3A_93 : vector<2000x128xi32>
    %lt3A = arith.constant 16 : i32
    %lt3A_95 = vector.broadcast %lt3A : i32 to vector<2000x128xi32>
    %lt3A_96 = arith.cmpi slt, %sub3A_92, %lt3A_95 : vector<2000x128xi32>
    %and3A = arith.andi %ge3A_94, %lt3A_96 : vector<2000x128xi1>
    %concatenate3A_97 = tpu.concatenate %mul3A_87, %mul3A_87, %mul3A_87, %mul3A_87, %mul3A_87, %mul3A_87, %mul3A_87, %mul3A_87 in 1 : vector<2000x16xf32>, vector<2000x16xf32>, vector<2000x16xf32>, vector<2000x16xf32>, vector<2000x16xf32>, vector<2000x16xf32>, vector<2000x16xf32>, vector<2000x16xf32> -> vector<2000x128xf32>
    %jit3A = arith.constant 0.000000e+00 : f32
    %broadcast_in_dim3A = vector.broadcast %jit3A : f32 to vector<2000x128xf32>
    %select_n3A = arith.select %and3A, %concatenate3A_97, %broadcast_in_dim3A : vector<2000x128xi1>, vector<2000x128xf32>
    %swap3A = arith.constant 0 : index
    %swap3A_98 = arith.constant 0 : index
    %swap3A_99 = vector.load %arg12[%swap3A, %swap3A_98] : memref<2000x128xf32, #tpu.memory_space<vmem>>, vector<2000x128xf32>
    tpu.vector_store %arg12[%swap3A, %swap3A_98], %select_n3A {strides = array<i32>} : memref<2000x128xf32, #tpu.memory_space<vmem>>, vector<2000x128xf32>,
    return
  }
  func.func @transform_0(%arg0: i32) -> (i32, i32) {
    %c0_i32 = arith.constant 0 : i32
    %c0_i32_0 = arith.constant 0 : i32
    return %arg0, %c0_i32 : i32, i32
  }
  func.func @transform_1(%arg0: i32) -> (i32, i32) {
    %c0_i32 = arith.constant 0 : i32
    %c0_i32_0 = arith.constant 0 : i32
    return %arg0, %c0_i32 : i32, i32
  }
  func.func @transform_2(%arg0: i32) -> (i32, i32) {
    %add3A = arith.constant 400 : i32
    %add3A_0 = arith.addi %arg0, %add3A : i32
    %c0_i32 = arith.constant 0 : i32
    %c0_i32_1 = arith.constant 0 : i32
    return %add3A_0, %c0_i32 : i32, i32
  }
  func.func @transform_3(%arg0: i32) -> (i32, i32) {
    %c0_i32 = arith.constant 0 : i32
    %c0_i32_0 = arith.constant 0 : i32
    return %arg0, %c0_i32 : i32, i32
  }
  func.func @transform_4(%arg0: i32) -> (i32, i32) {
    %c0_i32 = arith.constant 0 : i32
    %c0_i32_0 = arith.constant 0 : i32
    return %arg0, %c0_i32 : i32, i32
  }
  func.func @transform_5(%arg0: i32) -> (i32, i32) {
    %c0_i32 = arith.constant 0 : i32
    %c0_i32_0 = arith.constant 0 : i32
    %c0_i32_1 = arith.constant 0 : i32
    return %c0_i32, %c0_i32_0 : i32, i32
  }
  func.func @transform_6(%arg0: i32) -> (i32, i32) {
    %c0_i32 = arith.constant 0 : i32
    %c0_i32_0 = arith.constant 0 : i32
    %c0_i32_1 = arith.constant 0 : i32
    return %c0_i32, %c0_i32_0 : i32, i32
  }
  func.func @transform_7(%arg0: i32) -> (i32, i32) {
    %c0_i32 = arith.constant 0 : i32
    %c0_i32_0 = arith.constant 0 : i32
    %c0_i32_1 = arith.constant 0 : i32
    return %c0_i32, %c0_i32_0 : i32, i32
  }
  func.func @transform_8(%arg0: i32) -> (i32, i32) {
    %c0_i32 = arith.constant 0 : i32
    %c0_i32_0 = arith.constant 0 : i32
    %c0_i32_1 = arith.constant 0 : i32
    return %c0_i32, %c0_i32_0 : i32, i32
  }
  func.func @transform_9(%arg0: i32) -> (i32, i32) {
    %c0_i32 = arith.constant 0 : i32
    %c0_i32_0 = arith.constant 0 : i32
    %c0_i32_1 = arith.constant 0 : i32
    return %c0_i32, %c0_i32_0 : i32, i32
  }
  func.func @transform_10(%arg0: i32) -> (i32, i32) {
    %c0_i32 = arith.constant 0 : i32
    %c0_i32_0 = arith.constant 0 : i32
    %c0_i32_1 = arith.constant 0 : i32
    return %c0_i32, %c0_i32_0 : i32, i32
  }
  func.func @transform_11(%arg0: i32) -> (i32, i32) {
    %c0_i32 = arith.constant 0 : i32
    %c0_i32_0 = arith.constant 0 : i32
    return %arg0, %c0_i32 : i32, i32
  }
}

module attributes {stable_mosaic.version = 14 : i64} {
  func.func @_combine_body(%arg0: i32, %arg1: memref<5000x16xf32, #tpu.memory_space<vmem>>, %arg2: memref<1x5000x16xf32, #tpu.memory_space<vmem>>, %arg3: memref<1x5000x16xf32, #tpu.memory_space<vmem>>, %arg4: memref<5000x16xf32, #tpu.memory_space<vmem>>) attributes {dimension_semantics = [#tpu.dimension_semantics<arbitrary>], iteration_bounds = array<i64: 10>, scalar_prefetch = 0 : i64, scratch_operands = 0 : i64, tpu.core_type = #tpu.core_type<tc>, window_params = [{transform_indices = @transform_0, window_bounds = array<i64: 5000, 16>}, {transform_indices = @transform_1, window_bounds = array<i64: 1, 5000, 16>}, {transform_indices = @transform_2, window_bounds = array<i64: 1, 5000, 16>}, {transform_indices = @transform_3, window_bounds = array<i64: 5000, 16>}]} {
    %get3A = arith.constant 0 : index
    %get3A_0 = arith.constant 0 : index
    %get3A_1 = vector.load %arg1[%get3A, %get3A_0] : memref<5000x16xf32, #tpu.memory_space<vmem>>, vector<5000x16xf32>
    %get3A_2 = arith.constant 0 : index
    %get3A_3 = arith.constant 0 : index
    %get3A_4 = arith.constant 0 : index
    %get3A_5 = vector.load %arg2[%get3A_2, %get3A_3, %get3A_4] : memref<1x5000x16xf32, #tpu.memory_space<vmem>>, vector<1x5000x16xf32>
    %get3A_6 = vector.shape_cast %get3A_5 : vector<1x5000x16xf32> to vector<5000x16xf32>
    %add3A = arith.addf %get3A_1, %get3A_6 : vector<5000x16xf32>
    %get3A_7 = arith.constant 0 : index
    %get3A_8 = arith.constant 0 : index
    %get3A_9 = arith.constant 0 : index
    %get3A_10 = vector.load %arg3[%get3A_7, %get3A_8, %get3A_9] : memref<1x5000x16xf32, #tpu.memory_space<vmem>>, vector<1x5000x16xf32>
    %get3A_11 = vector.shape_cast %get3A_10 : vector<1x5000x16xf32> to vector<5000x16xf32>
    %add3A_12 = arith.addf %add3A, %get3A_11 : vector<5000x16xf32>
    %swap3A = arith.constant 0 : index
    %swap3A_13 = arith.constant 0 : index
    %swap3A_14 = vector.load %arg4[%swap3A, %swap3A_13] : memref<5000x16xf32, #tpu.memory_space<vmem>>, vector<5000x16xf32>
    tpu.vector_store %arg4[%swap3A, %swap3A_13], %add3A_12 {strides = array<i32>} : memref<5000x16xf32, #tpu.memory_space<vmem>>, vector<5000x16xf32>,
    return
  }
  func.func @transform_0(%arg0: i32) -> (i32, i32) {
    %c0_i32 = arith.constant 0 : i32
    %c0_i32_0 = arith.constant 0 : i32
    return %arg0, %c0_i32 : i32, i32
  }
  func.func @transform_1(%arg0: i32) -> (i32, i32, i32) {
    %c0_i32 = arith.constant 0 : i32
    %c0_i32_0 = arith.constant 0 : i32
    %c0_i32_1 = arith.constant 0 : i32
    return %c0_i32, %arg0, %c0_i32_0 : i32, i32, i32
  }
  func.func @transform_2(%arg0: i32) -> (i32, i32, i32) {
    %c1_i32 = arith.constant 1 : i32
    %c0_i32 = arith.constant 0 : i32
    %c0_i32_0 = arith.constant 0 : i32
    return %c1_i32, %arg0, %c0_i32 : i32, i32, i32
  }
  func.func @transform_3(%arg0: i32) -> (i32, i32) {
    %c0_i32 = arith.constant 0 : i32
    %c0_i32_0 = arith.constant 0 : i32
    return %arg0, %c0_i32 : i32, i32
  }
}

</mosaic_0001>

<sc_bundles>
// kernel: kernel.6.cloned.1.call-start
scs
__scs_entry_jumppad:
0x0: {  	(pc) =	sbr.rel $0x88, $3  }
0x1: {  	(tag) =	ssettag $0x0;
	lr =	simm.s32 $0x1  }
0x2: {  	[smem:$0x3F97] =	sst lr;
	_ =	strace $0xD0000000  }
0x3: {  	_ = 	snop  }
0x4: {  	_ = 	snop  }
0x5: {  	_ = 	snop  }
0x6: {  	_ = 	snop  }
0x7: {  	_ = 	snop  }
__scs_overlays_trampoline_lowered:
0x8: {  	[smem:$0x3FA6] =	sst s0  }
0x9: {  	[smem:$0x3FA7] =	sst s1  }
0xa: {  	[smem:$0x3FA8] =	sst s2  }
0xb: {  	[smem:$0x3FA9] =	sst s3  }
0xc: {  	[smem:$0x3FAA] =	sst s4  }
0xd: {  	[smem:$0x3FAB] =	sst s5  }
0xe: {  	[smem:$0x3FAC] =	sst s6  }
0xf: {  	[smem:$0x3FAD] =	sst s7  }
0x10: {  	[smem:$0x3FAE] =	sst s8  }
0x11: {  	[smem:$0x3FAF] =	sst s9;
	s0 =	simm.s32 @!p0 $0x0  }
0x12: {  	s1 =	sld [smem:$0x3F95];
	s0 =	simm.s32 @p0 $0x1  }
0x13: {  	[smem:$0x3FB0] =	sst s0;
	s0 =	simm.s32 @!p1 $0x0  }
0x14: {  	s2 =	sld [smem:$0x3F94];
	s0 =	simm.s32 @p1 $0x1  }
0x15: {  	[smem:$0x3FB1] =	sst s0;
	s0 =	simm.s32 @!p2 $0x0  }
0x16: {  	s3 =	sld [smem:$0x3FDB];
	s0 =	simm.s32 @p2 $0x1  }
0x17: {  	s4 =	simm.s32 $0x1BF5;
	[smem:$0x3FB3] =	sst s0  }
0x18: {  	s0 =	sld [smem:$0x3F96];
	_ =	swait.ge [sflag:s4], $0x0  }
0x19: {  	s7 =	sld [smem:$0x3F97]  }
0x1a: {  	s8 =	sadd.s32 $0xFFFFE003, lr  }
0x1b: {  	s9 =	sadd.s32 $0xFFFFFEF7, lr;
	s5 =	simm.s32 $0xFFFFFFFF;
	p2 =	slt.u32 s8, $0xFFFFF086  }
0x1c: {  	p1 =	slt.u32 s9, $0xF7A;
	s5 =	simm.s32 @!p2 $0x0  }
0x1d: {  	s5 =	simm.s32 @p1 $0x1;
	p0 =	seq.s32 s7, s2  }
0x1e: {  	s7 =	smul.u32 @!p0 $0xF7A, s2;
	p2 =	seq.s32 @!p0 s5, $0x0  }
0x1f: {  	s9 =	smul.u32 $0xF7A, s1;
	s8 =	simm.s32 @!p0 $0x1BF5;
	p2 =	por !p2, p0  }
0x20: {  	[sflag:s8] =	ssyncset.s32 @!p0 $0xFFFFF086;
	s6 =	sadd.s32 @!p0 s3, s7;
	s7 =	simm.s32 @!p0 $0x108  }
0x21: {  	s3 =	sadd.s32 s3, s9;
	s6 =	sadd.s32 @!p0 $0x88, s6;
	s7 =	simm.s32 @p2 $0x1082  }
0x22: {  	[simem:s7], [sflag:s8] =	dma.local @!p0 [hbm:s6], $0xF7A  }
0x23: {  	s9 =	sor.u32 $0xD0000000, s2;
	s6 =	simm.s32 $0x108;
	_ =	swait.ge @!p0 [sflag:s8], $0x0  }
0x24: {  	s3 =	sadd.s32 $0x88, s3;
	s6 =	simm.s32 @!p1 $0x1082;
	[sflag:s4] =	ssyncset.s32 $0xFFFFF086  }
0x25: {  	[simem:s6], [sflag:s4] =	dma.local [hbm:s3], $0xF7A  }
0x26: {  	[smem:$0x3F97] =	sst s1;
	(tag) =	ssettag s2;
	_ =	strace s9  }
0x27: {  	s1 =	sld [smem:$0x3FA7]  }
0x28: {  	s2 =	sld [smem:$0x3FA8]  }
0x29: {  	s4 =	sld [smem:$0x3FAA]  }
0x2a: {  	p0 =	seq.s32 s5, $0x0;
	s5 =	sld [smem:$0x3FAB]  }
0x2b: {  	s6 =	sld [smem:$0x3FAC]  }
0x2c: {  	s7 =	sld [smem:$0x3FAD]  }
0x2d: {  	s3 =	simm.s32 $0x108;
	s8 =	sld [smem:$0x3FAE]  }
0x2e: {  	s3 =	simm.s32 @!p0 $0x1082;
	s9 =	sld [smem:$0x3FAF]  }
0x2f: {  	lr =	sadd.s32 s0, s3;
	s0 =	sld [smem:$0x3FA6]  }
0x30: {  	s3 =	sld [smem:$0x3FA9]  }
0x31: {  	[smem:$0x3FB2] =	sst s10  }
0x32: {  	s10 =	sld [smem:$0x3FB0];
	_ =	sdelay $0x3  }
0x33: {  	p0 =	seq.s32 s10, $0x1;
	s10 =	sld [smem:$0x3FB2];
	_ =	sdelay $0x3  }
0x34: {  	[smem:$0x3FB2] =	sst s10  }
0x35: {  	s10 =	sld [smem:$0x3FB1];
	_ =	sdelay $0x3  }
0x36: {  	p1 =	seq.s32 s10, $0x1;
	s10 =	sld [smem:$0x3FB2];
	_ =	sdelay $0x3  }
0x37: {  	[smem:$0x3FB2] =	sst s10  }
0x38: {  	s10 =	sld [smem:$0x3FB3]  }
0x39: {  	_ = 	snop;
	(pc) =	sbr.ind lr, $3  }
0x3a: {  	_ = 	snop  }
0x3b: {  	_ = 	snop  }
0x3c: {  	p2 =	seq.s32 s10, $0x1;
	s10 =	sld [smem:$0x3FB2]  }
0x3d: {  	_ =	shalt  }
0x3e: {  	_ =	shalt  }
0x3f: {  	_ =	shalt  }
0x40: {  	_ =	shalt  }
0x41: {  	_ =	shalt  }
0x42: {  	_ =	shalt  }
0x43: {  	_ =	shalt  }
0x44: {  	_ =	shalt  }
0x45: {  	_ =	shalt  }
0x46: {  	_ =	shalt  }
0x47: {  	_ =	shalt  }
0x48: {  	_ =	shalt  }
0x49: {  	_ =	shalt  }
0x4a: {  	_ =	shalt  }
0x4b: {  	_ =	shalt  }
0x4c: {  	_ =	shalt  }
0x4d: {  	_ =	shalt  }
0x4e: {  	_ =	shalt  }
0x4f: {  	_ =	shalt  }
0x50: {  	_ =	shalt  }
0x51: {  	_ =	shalt  }
0x52: {  	_ =	shalt  }
0x53: {  	_ =	shalt  }
0x54: {  	_ =	shalt  }
0x55: {  	_ =	shalt  }
0x56: {  	_ =	shalt  }
0x57: {  	_ =	shalt  }
0x58: {  	_ =	shalt  }
0x59: {  	_ =	shalt  }
0x5a: {  	_ =	shalt  }
0x5b: {  	_ =	shalt  }
0x5c: {  	_ =	shalt  }
0x5d: {  	_ =	shalt  }
0x5e: {  	_ =	shalt  }
0x5f: {  	_ =	shalt  }
0x60: {  	_ =	shalt  }
0x61: {  	_ =	shalt  }
0x62: {  	_ =	shalt  }
0x63: {  	_ =	shalt  }
0x64: {  	_ =	shalt  }
0x65: {  	_ =	shalt  }
0x66: {  	_ =	shalt  }
0x67: {  	_ =	shalt  }
0x68: {  	_ =	shalt  }
0x69: {  	_ =	shalt  }
0x6a: {  	_ =	shalt  }
0x6b: {  	_ =	shalt  }
0x6c: {  	_ =	shalt  }
0x6d: {  	_ =	shalt  }
0x6e: {  	_ =	shalt  }
0x6f: {  	_ =	shalt  }
0x70: {  	_ =	shalt  }
0x71: {  	_ =	shalt  }
0x72: {  	_ =	shalt  }
0x73: {  	_ =	shalt  }
0x74: {  	_ =	shalt  }
0x75: {  	_ =	shalt  }
0x76: {  	_ =	shalt  }
0x77: {  	_ =	shalt  }
0x78: {  	_ =	shalt  }
0x79: {  	_ =	shalt  }
0x7a: {  	_ =	shalt  }
0x7b: {  	_ =	shalt  }
0x7c: {  	_ =	shalt  }
0x7d: {  	_ =	shalt  }
0x7e: {  	_ =	shalt  }
0x7f: {  	_ =	shalt  }
0x80: {  	_ =	shalt  }
0x81: {  	_ =	shalt  }
0x82: {  	_ =	shalt  }
0x83: {  	_ =	shalt  }
0x84: {  	_ =	shalt  }
0x85: {  	_ =	shalt  }
0x86: {  	_ =	shalt  }
0x87: {  	_ =	shalt  }
.Lfunc_end0:
.L_simem_size_0:
called_computation_lowered:
.L_overlay_start_0:
0x88: {  	s2 =	sld [smem:$0x3FD9]  }
0x89: {  	s3 =	sld [smem:$0x3FFE];
	_ =	sdelay $0x1  }
0x8a: {  	s1 =	srdreg.scid  }
0x8b: {  	s0 =	sand.u32 $0x1, s1  }
0x8c: {  	s16 =	sshll.u32 s0, $0xA;
	s2 =	sadd.s32 s3, s2  }
0x8d: {  	s2 =	sadd.s32 s2, s16  }
0x8e: {  	[smem:$0x3FBE] =	sst s2  }
0x8f: {  	_ = 	snop  }
0x90: {  	(tm) =	ssettm $0x1  }
0x91: {  	s17 =	sld [smem:$0x3FFB];
	_ =	sdelay $0x3  }
0x92: {  	_ =	strace s17  }
0x93: {  	s2 =	sld [smem:$0x3FFC];
	_ =	sdelay $0x3  }
0x94: {  	_ =	strace s2  }
0x95: {  	s2 =	sld [smem:$0x3FFD];
	_ =	sdelay $0x3  }
0x96: {  	_ =	strace s2  }
0x97: {  	_ =	strace $0x8FFFFFFF  }
0x98: {  	s18 =	sld [smem:$0x3FDB];
	_ =	sdelay $0x1  }
0x99: {  	s19 =	simm.s32 $_scs_section_size  }
0x9a: {  	s4 =	simm.s32 $_size__tile_overlayer_lowered;
	s5 =	simm.s32 $_tile_overlayer_lowered  }
0x9b: {  	s22 =	simm.s32 $0x1BFF;
	s21 =	sshll.u32 s5, $0x1;
	s2 =	sadd.s32 s19, s18  }
0x9c: {  	s6 =	simm.s32 $0x0;
	s20 =	sshll.u32 s4, $0x1;
	s4 =	sadd.s32 s21, s2  }
0x9d: {  	[timem:s6], [sflag:s22] =	dma.local [hbm:s4], s20  }
0x9e: {  	_ =	swait.ge [sflag:s22], s20  }
0x9f: {  	s3 =	ssub.s32 $0x0, s20;
	[sflag:s22] =	ssyncset.done $0x0  }
0xa0: {  	[sflag:s22] =	ssyncadd.s32 s3;
	_ =	sdelay $0x1  }
0xa1: {  	s23 =	simm.s32 $0x1B8B  }
0xa2: {  	_ =	swait.ge [sflag:s23], $0x1  }
0xa3: {  	[sflag:s23] =	ssyncset.done $0x0  }
0xa4: {  	s25 =	simm.s32 $0x1B8E;
	s24 =	sld [smem:$0x3FFE];
	[sflag:s23] =	ssyncadd.s32 $0xFFFFFFFF  }
0xa5: {  	s26 =	simm.s32 $execute0_lowered;
	[smem:$0x3FD2] =	sst s25  }
0xa6: {  	s4 =	sshll.u32 s26, $0x1;
	_ =	strace $0x80000046;
	[dreg:$0x1] =	wrdreg $0xFFFFFFFF  }
0xa7: {  	s28 =	simm.s32 $_size_execute0_lowered;
	s2 =	sadd.s32 s2, s4;
	[dreg:$0x0] =	wrdreg $0x0  }
0xa8: {  	s4 =	sshll.u32 s28, $0x1;
	[dreg:$0x2] =	wrdreg s2  }
0xa9: {  	[dreg:$0x3] =	wrdreg s4  }
0xaa: {  	[dreg:$0x4] =	wrdreg $0xC0  }
0xab: {  	_ =	task [dreg:s6], $0x5FFFF  }
0xac: {  	[dreg:$0x1] =	wrdreg $0xFFFFFFFF  }
0xad: {  	[dreg:$0x0] =	wrdreg $0x60  }
0xae: {  	[dreg:$0x2] =	wrdreg s24  }
0xaf: {  	[dreg:$0x3] =	wrdreg $0x9  }
0xb0: {  	_ =	task.clear_ibuf [dreg:s6], $0x4FFFF;
	_ =	strace $0x90000046  }
0xb1: {  	s29 =	simm.s32 $0x9;
	_ =	strace $0x8000004F  }
0xb2: {  	_ =	swait.ge [sflag:s29], $0x1  }
0xb3: {  	[sflag:s29] =	ssyncadd.s32 $0xFFFFFFFF  }
0xb4: {  	_ =	strace $0x9000004F  }
0xb5: {  	_ =	sfence  }
0xb6: {  	s30 =	sld [smem:$0x0];
	_ =	sdelay $0x2  }
0xb7: {  	s31 =	sshll.u32 s1, $0xD;
	s1 =	sshrl.u32 s1, $0x2  }
0xb8: {  	s3 =	sand.u32 $0x4000, s31;
	s1 =	sadd.s32 s1, s30  }
0xb9: {  	s0 =	sor.u32 s3, s0;
	s1 =	sshll.u32 s1, $0x11  }
0xba: {  	s0 =	sor.u32 s1, s0  }
0xbb: {  	s0 =	sadd.s32 $0x8F2B, s0  }
0xbc: {  	[sflag:s0] =	ssyncadd.remote.s32 $0x1  }
0xbd: {  	_ =	sfence.sel $0xFFFF  }
0xbe: {  	[dreg:$0x0] =	wrdreg $0xFFFFFFFF;
	(pc) =	sbr.abs _section_cstart, $3  }
0xbf: {  	[dreg:$0x1] =	wrdreg $0xFFFFFFFF  }
0xc0: {  	_ =	task.clear_ibuf [dreg:s6], $0x2FFFF;
	_ =	strace $0x9FFFFFFF  }
0xc1: {  	(tm) =	ssettm $0x7FFFFFFF  }
tec
execute0_lowered:
.L_overlay_start_1:
0x0: {  	(tag) =	ssettag $0x1  }
0x1: {  	s5 =	rddreg [dreg:$0x0]  }
0x2: {  	s0 =	rddreg [dreg:$0x1];
	s1 =	simm.s32 $0x0  }
0x3: {  	s2 =	srdreg.scid;
	s10 =	simm.s32 $0x100;
	s11 =	simm.s32 $0x5  }
0x4: {  	s12 =	simm.s32 $0x0;
	[smem:$0x7FF] =	sst s1;
	s4 =	sand.u32 $0x1, s2  }
0x5: {  	s2 =	stileid.u32;
	s3 =	sadd.s32 $0xC4C00, s5;
	s6 =	sshll.u32 s4, $0x4  }
0x6: {  	_ =	strace $0x80000047;
	s7 =	ssub.s32 $0x2, s4;
	s6 =	sor.u32 s2, s6  }
0x7: {  	s4 =	sadd.s32 $0x188200, s5;
	s8 =	sshrl.u32 s7, $0x1;
	s9 =	smul.u32 $0x1900, s6  }
0x8: {  	s5 =	sadd.s32 $0x1BA200, s5;
	s8 =	ssub.s32 s7, s8;
	s6 =	smul.u32 $0xC8, s6  }
0x9: {  	s8 =	smax.u32 s8, $0x1;
	s7 =	sadd.s32 s4, s9;
	s9 =	simm.s32 $0x8000  }
.LBB2_1:
0xa: {  	_ =	strace $0x80000048;
	s14 =	simm.s32 $0x0  }
0xb: {  	s13 =	simm.s32 $0x0;
	s15 =	simm.s32 $0x0;
	s16 =	simm.s32 $0x0  }
0xc: {  	[tilespmem:s9], [sflag:$0x1] =	stream.linear.gather [hbm4b:s7+s1], $0x100, $0x200038;
	[tilespmem:$0x18200] =	vst v63  }
0xd: {  	s17 =	simm.s32 $0x1;
	s18 =	simm.s32 $0x0;
	_ =	strace $0x90000048  }
.LBB2_2:
0xe: {  	s21 =	smov.u32 s14;
	s14 =	sadd.s32 $0x1, s14  }
0xf: {  	p0 =	seq.s32 s14, $0xC8  }
0x10: {  	s14 =	simm.s32 @p0 $0x0  }
0x11: {  	p6 =	sne.s32 s18, $0xC7;
	p1 =	sne.s32 s21, s14  }
0x12: {  	p0 =	por !p6, !p1  }
0x13: {  	p0 =	por !p0, !p0  }
0x14: {  	s20 =	sadd.s32 @p0 s6, s14  }
0x15: {  	s19 =	sand.u32 @p0 $0x1, s17;
	_ =	strace @p0 $0x80000049;
	s20 =	sshll.u32 @p0 s20, $0x5  }
0x16: {  	s23 =	simm.s32 @p0 $0x0;
	s22 =	sshll.u32 @p0 s19, $0x8;
	s20 =	sand.u32 @p0 $0x1FFFFFE0, s20  }
0x17: {  	s19 =	sadd.s32 @p0 $0x1, s19;
	s22 =	sor.u32 @p0 $0x8000, s22;
	s20 =	sadd.s32 @p0 s4, s20  }
0x18: {  	[tilespmem:s22], [sflag:s19] =	stream.linear.gather @p0 [hbm4b:s20+s23], $0x100, $0x200038;
	[tilespmem:$0x18200] =	vst v63  }
0x19: {  	s28 =	sand.u32 $0x1, s16;
	_ =	strace @p0 $0x90000049  }
0x1a: {  	s19 =	sadd.s32 $0x1, s28;
	_ =	strace $0x8000004A  }
0x1b: {  	_ =	swait.ge [sflag:s19], $0x100  }
0x1c: {  	[sflag:s19] =	ssyncset.done $0x0  }
0x1d: {  	s29 =	sshll.u32 s16, $0x8;
	[sflag:s19] =	ssyncadd.s32 $0xFFFFFF00  }
0x1e: {  	s19 =	sand.u32 $0x100, s29;
	_ =	strace $0x9000004A  }
0x1f: {  	s30 =	simm.s32 $0x0;
	s19 =	sor.u32 $0x8000, s19;
	_ =	strace $0x8000004B  }
0x20: {  	[tilespmem:s30], [sflag:$0x5] =	stream.indirect.gather [hbm4b:s3+s10], $0x80, s19, s10, $0x2000b8;
	[tilespmem:$0x18200] =	vst v63  }
0x21: {  	s19 =	sand.u32 $0x1, s15;
	_ =	swait.ge [sflag:s11], $0x8000  }
0x22: {  	s31 =	sshll.u32 s19, $0xF;
	[sflag:s11] =	ssyncset.done $0x0  }
0x23: {  	s22 =	simm.s32 $0x0;
	s20 =	sadd.s32 $0x8200, s31;
	[sflag:s11] =	ssyncadd.s32 $0xFFFF8000  }
0x24: {  	s21 =	sadd.s32 s6, s21;
	s23 =	simm.s32 $0x200;
	v0 =	vmov s20;
	v1 =	vld [tilespmem:s22+$0x0]  }
.LBB2_3:
0x25: {  	p2 =	sne.s32 s23, $0x1FE00  }
.Ltmp0:
0x26: {  	_ = 	snop;
	(pc) =	sbr.rel @p2 .LBB2_3-.Ltmp0, $3  }
0x27: {  	_ =	sdelay $0x1  }
0x28: {  	[tilespmem:v0+s22+$0x0 ss:$0x1] =	vst.idx.msk $0xffff, v1;
	s22 =	sshra.s32 s23, $0x2;
	s23 =	sadd.s32 $0x200, s23  }
0x29: {  	v1 =	vld [tilespmem:s22+$0x0]  }
0x2a: {  	_ =	sdelay $0x1  }
0x2b: {  	p2 =	seq.s32 s18, $0xC7  }
0x2c: {  	p1 =	por p2, p1  }
0x2d: {  	s21 =	sshll.u32 @p1 s21, $0xC;
	[tilespmem:v0+s22+$0x0 ss:$0x1] =	vst.idx.msk $0xffff, v1  }
0x2e: {  	s19 =	sadd.s32 @p1 $0x3, s19;
	s21 =	sand.u32 @p1 $0x1FFFF000, s21;
	_ =	strace $0x9000004B  }
0x2f: {  	s21 =	sadd.s32 @p1 s5, s21;
	s22 =	simm.s32 @p1 $0x0;
	_ =	strace @p1 $0x8000004C  }
0x30: {  	[hbm4b:s21+s22] =	stream.linear.scatter @p1 [tilespmem:s20], [sflag:s19], $0x8000, $0x200038;
	[tilespmem:$0x18200] =	vst v63  }
0x31: {  	s19 =	simm.s32 $0x1  }
0x32: {  	s21 =	simm.s32 $0x1;
	s19 =	simm.s32 @!p0 $0x0;
	p0 =	seq.s32 s18, $0x0  }
0x33: {  	_ =	strace @p1 $0x9000004C;
	s17 =	sadd.s32 s19, s17;
	s19 =	simm.s32 $0x1  }
0x34: {  	s19 =	simm.s32 @!p1 $0x0;
	p1 =	sne.s32 s18, $0x0;
	s18 =	sadd.s32 $0x1, s18  }
0x35: {  	s20 =	sand.u32 @!p0 $0x1, s13;
	s21 =	simm.s32 @!p1 $0x0;
	p1 =	sne.s32 s18, $0xC8  }
.Ltmp1:
0x36: {  	_ =	strace @!p0 $0x8000004D;
	s20 =	sadd.s32 @!p0 $0x3, s20;
	(pc) =	sbr.rel @p1 .LBB2_2-.Ltmp1, $4  }
0x37: {  	_ =	swait.ge @!p0 [sflag:s20], $0x8000  }
0x38: {  	[sflag:s20] =	ssyncset.done @!p0 $0x0  }
0x39: {  	s15 =	sadd.s32 s19, s15;
	[sflag:s20] =	ssyncadd.s32 @!p0 $0xFFFF8000  }
0x3a: {  	s16 =	sadd.s32 s19, s16;
	s13 =	sadd.s32 s21, s13;
	_ =	strace @!p0 $0x9000004D  }
0x3b: {  	s12 =	sadd.s32 $0x1, s12  }
0x3c: {  	s13 =	sand.u32 $0x1, s13;
	p0 =	sne.s32 s12, s8  }
.Ltmp2:
0x3d: {  	_ =	strace $0x8000004E;
	s13 =	sadd.s32 $0x3, s13;
	(pc) =	sbr.rel @p0 .LBB2_1-.Ltmp2, $4  }
0x3e: {  	_ =	swait.ge [sflag:s13], $0x8000  }
0x3f: {  	[sflag:s13] =	ssyncset.done $0x0  }
0x40: {  	[sflag:s13] =	ssyncadd.s32 $0xFFFF8000  }
0x41: {  	_ =	strace $0x9000004E  }
0x42: {  	_ =	sfence.sel $0x180000  }
0x43: {  	[bflag:$0x0] =	sbarrier.arrive $0xFFFF  }
0x44: {  	p0 =	sne.s32 s2, $0x0;
	_ =	strace $0x90000047  }
0x45: {  	s0 =	sadd.s32 @!p0 $0x100000, s0;
	[bflag:$0x2] =	sbarrier.arrive $0xFFFF  }
0x46: {  	[sflag:s0] =	ssyncadd.tile.s32 @!p0 $0x1;
	_ =	shalt  }
.Lfunc_end2:
_tile_overlayer_lowered:
.L_overlay_start_2:
0x47: {  	(tag) =	ssettag $0x2  }
0x48: {  	s0 =	rddreg [dreg:$0x0];
	s2 =	stileid.u32  }
0x49: {  	s1 =	rddreg [dreg:$0x1];
	p0 =	sne.s32 s2, $0x0  }
0x4a: {  	s3 =	rddreg [dreg:$0x2];
	[bflag:$0x3] =	sbarrier.arrive $0xFFFF;
	s2 =	simm.s32 @!p0 $0x1C01  }
0x4b: {  	[timem:s3], [sflag:s2] =	dma.local @!p0 [hbm:s0], s1  }
0x4c: {  	s0 =	simm.s32 @!p0 $0x1  }
0x4d: {  	_ =	swait.ge @!p0 [sflag:s0], s1  }
0x4e: {  	s1 =	ssub.s32 @!p0 $0x0, s1;
	[sflag:s0] =	ssyncset.done @!p0 $0x0  }
0x4f: {  	[sflag:s0] =	ssyncadd.s32 @!p0 s1  }
0x50: {  	[bflag:$0x3] =	sbarrier.arrive $0xFFFF  }
0x51: {  	_ =	shalt  }

// kernel: kernel.9.cloned.1.call-start
scs
__scs_entry_jumppad:
0x0: {  	(pc) =	sbr.rel $0x88, $3  }
0x1: {  	(tag) =	ssettag $0x0;
	lr =	simm.s32 $0x1  }
0x2: {  	[smem:$0x3F97] =	sst lr;
	_ =	strace $0xD0000000  }
0x3: {  	_ = 	snop  }
0x4: {  	_ = 	snop  }
0x5: {  	_ = 	snop  }
0x6: {  	_ = 	snop  }
0x7: {  	_ = 	snop  }
__scs_overlays_trampoline_lowered:
0x8: {  	[smem:$0x3FA6] =	sst s0  }
0x9: {  	[smem:$0x3FA7] =	sst s1  }
0xa: {  	[smem:$0x3FA8] =	sst s2  }
0xb: {  	[smem:$0x3FA9] =	sst s3  }
0xc: {  	[smem:$0x3FAA] =	sst s4  }
0xd: {  	[smem:$0x3FAB] =	sst s5  }
0xe: {  	[smem:$0x3FAC] =	sst s6  }
0xf: {  	[smem:$0x3FAD] =	sst s7  }
0x10: {  	[smem:$0x3FAE] =	sst s8  }
0x11: {  	[smem:$0x3FAF] =	sst s9;
	s0 =	simm.s32 @!p0 $0x0  }
0x12: {  	s1 =	sld [smem:$0x3F95];
	s0 =	simm.s32 @p0 $0x1  }
0x13: {  	[smem:$0x3FB0] =	sst s0;
	s0 =	simm.s32 @!p1 $0x0  }
0x14: {  	s2 =	sld [smem:$0x3F94];
	s0 =	simm.s32 @p1 $0x1  }
0x15: {  	[smem:$0x3FB1] =	sst s0;
	s0 =	simm.s32 @!p2 $0x0  }
0x16: {  	s3 =	sld [smem:$0x3FDB];
	s0 =	simm.s32 @p2 $0x1  }
0x17: {  	s4 =	simm.s32 $0x1BF5;
	[smem:$0x3FB3] =	sst s0  }
0x18: {  	s0 =	sld [smem:$0x3F96];
	_ =	swait.ge [sflag:s4], $0x0  }
0x19: {  	s7 =	sld [smem:$0x3F97]  }
0x1a: {  	s8 =	sadd.s32 $0xFFFFE003, lr  }
0x1b: {  	s9 =	sadd.s32 $0xFFFFFEF7, lr;
	s5 =	simm.s32 $0xFFFFFFFF;
	p2 =	slt.u32 s8, $0xFFFFF086  }
0x1c: {  	p1 =	slt.u32 s9, $0xF7A;
	s5 =	simm.s32 @!p2 $0x0  }
0x1d: {  	s5 =	simm.s32 @p1 $0x1;
	p0 =	seq.s32 s7, s2  }
0x1e: {  	s7 =	smul.u32 @!p0 $0xF7A, s2;
	p2 =	seq.s32 @!p0 s5, $0x0  }
0x1f: {  	s9 =	smul.u32 $0xF7A, s1;
	s8 =	simm.s32 @!p0 $0x1BF5;
	p2 =	por !p2, p0  }
0x20: {  	[sflag:s8] =	ssyncset.s32 @!p0 $0xFFFFF086;
	s6 =	sadd.s32 @!p0 s3, s7;
	s7 =	simm.s32 @!p0 $0x108  }
0x21: {  	s3 =	sadd.s32 s3, s9;
	s6 =	sadd.s32 @!p0 $0x88, s6;
	s7 =	simm.s32 @p2 $0x1082  }
0x22: {  	[simem:s7], [sflag:s8] =	dma.local @!p0 [hbm:s6], $0xF7A  }
0x23: {  	s9 =	sor.u32 $0xD0000000, s2;
	s6 =	simm.s32 $0x108;
	_ =	swait.ge @!p0 [sflag:s8], $0x0  }
0x24: {  	s3 =	sadd.s32 $0x88, s3;
	s6 =	simm.s32 @!p1 $0x1082;
	[sflag:s4] =	ssyncset.s32 $0xFFFFF086  }
0x25: {  	[simem:s6], [sflag:s4] =	dma.local [hbm:s3], $0xF7A  }
0x26: {  	[smem:$0x3F97] =	sst s1;
	(tag) =	ssettag s2;
	_ =	strace s9  }
0x27: {  	s1 =	sld [smem:$0x3FA7]  }
0x28: {  	s2 =	sld [smem:$0x3FA8]  }
0x29: {  	s4 =	sld [smem:$0x3FAA]  }
0x2a: {  	p0 =	seq.s32 s5, $0x0;
	s5 =	sld [smem:$0x3FAB]  }
0x2b: {  	s6 =	sld [smem:$0x3FAC]  }
0x2c: {  	s7 =	sld [smem:$0x3FAD]  }
0x2d: {  	s3 =	simm.s32 $0x108;
	s8 =	sld [smem:$0x3FAE]  }
0x2e: {  	s3 =	simm.s32 @!p0 $0x1082;
	s9 =	sld [smem:$0x3FAF]  }
0x2f: {  	lr =	sadd.s32 s0, s3;
	s0 =	sld [smem:$0x3FA6]  }
0x30: {  	s3 =	sld [smem:$0x3FA9]  }
0x31: {  	[smem:$0x3FB2] =	sst s10  }
0x32: {  	s10 =	sld [smem:$0x3FB0];
	_ =	sdelay $0x3  }
0x33: {  	p0 =	seq.s32 s10, $0x1;
	s10 =	sld [smem:$0x3FB2];
	_ =	sdelay $0x3  }
0x34: {  	[smem:$0x3FB2] =	sst s10  }
0x35: {  	s10 =	sld [smem:$0x3FB1];
	_ =	sdelay $0x3  }
0x36: {  	p1 =	seq.s32 s10, $0x1;
	s10 =	sld [smem:$0x3FB2];
	_ =	sdelay $0x3  }
0x37: {  	[smem:$0x3FB2] =	sst s10  }
0x38: {  	s10 =	sld [smem:$0x3FB3]  }
0x39: {  	_ = 	snop;
	(pc) =	sbr.ind lr, $3  }
0x3a: {  	_ = 	snop  }
0x3b: {  	_ = 	snop  }
0x3c: {  	p2 =	seq.s32 s10, $0x1;
	s10 =	sld [smem:$0x3FB2]  }
0x3d: {  	_ =	shalt  }
0x3e: {  	_ =	shalt  }
0x3f: {  	_ =	shalt  }
0x40: {  	_ =	shalt  }
0x41: {  	_ =	shalt  }
0x42: {  	_ =	shalt  }
0x43: {  	_ =	shalt  }
0x44: {  	_ =	shalt  }
0x45: {  	_ =	shalt  }
0x46: {  	_ =	shalt  }
0x47: {  	_ =	shalt  }
0x48: {  	_ =	shalt  }
0x49: {  	_ =	shalt  }
0x4a: {  	_ =	shalt  }
0x4b: {  	_ =	shalt  }
0x4c: {  	_ =	shalt  }
0x4d: {  	_ =	shalt  }
0x4e: {  	_ =	shalt  }
0x4f: {  	_ =	shalt  }
0x50: {  	_ =	shalt  }
0x51: {  	_ =	shalt  }
0x52: {  	_ =	shalt  }
0x53: {  	_ =	shalt  }
0x54: {  	_ =	shalt  }
0x55: {  	_ =	shalt  }
0x56: {  	_ =	shalt  }
0x57: {  	_ =	shalt  }
0x58: {  	_ =	shalt  }
0x59: {  	_ =	shalt  }
0x5a: {  	_ =	shalt  }
0x5b: {  	_ =	shalt  }
0x5c: {  	_ =	shalt  }
0x5d: {  	_ =	shalt  }
0x5e: {  	_ =	shalt  }
0x5f: {  	_ =	shalt  }
0x60: {  	_ =	shalt  }
0x61: {  	_ =	shalt  }
0x62: {  	_ =	shalt  }
0x63: {  	_ =	shalt  }
0x64: {  	_ =	shalt  }
0x65: {  	_ =	shalt  }
0x66: {  	_ =	shalt  }
0x67: {  	_ =	shalt  }
0x68: {  	_ =	shalt  }
0x69: {  	_ =	shalt  }
0x6a: {  	_ =	shalt  }
0x6b: {  	_ =	shalt  }
0x6c: {  	_ =	shalt  }
0x6d: {  	_ =	shalt  }
0x6e: {  	_ =	shalt  }
0x6f: {  	_ =	shalt  }
0x70: {  	_ =	shalt  }
0x71: {  	_ =	shalt  }
0x72: {  	_ =	shalt  }
0x73: {  	_ =	shalt  }
0x74: {  	_ =	shalt  }
0x75: {  	_ =	shalt  }
0x76: {  	_ =	shalt  }
0x77: {  	_ =	shalt  }
0x78: {  	_ =	shalt  }
0x79: {  	_ =	shalt  }
0x7a: {  	_ =	shalt  }
0x7b: {  	_ =	shalt  }
0x7c: {  	_ =	shalt  }
0x7d: {  	_ =	shalt  }
0x7e: {  	_ =	shalt  }
0x7f: {  	_ =	shalt  }
0x80: {  	_ =	shalt  }
0x81: {  	_ =	shalt  }
0x82: {  	_ =	shalt  }
0x83: {  	_ =	shalt  }
0x84: {  	_ =	shalt  }
0x85: {  	_ =	shalt  }
0x86: {  	_ =	shalt  }
0x87: {  	_ =	shalt  }
.Lfunc_end0:
.L_simem_size_0:
called_computation.1_lowered:
.L_overlay_start_0:
0x88: {  	s2 =	sld [smem:$0x3FD9]  }
0x89: {  	s3 =	sld [smem:$0x3FFE];
	_ =	sdelay $0x1  }
0x8a: {  	s1 =	srdreg.scid  }
0x8b: {  	s0 =	sand.u32 $0x1, s1  }
0x8c: {  	s16 =	sshll.u32 s0, $0xA;
	s2 =	sadd.s32 s3, s2  }
0x8d: {  	s2 =	sadd.s32 s2, s16  }
0x8e: {  	[smem:$0x3FBE] =	sst s2  }
0x8f: {  	_ = 	snop  }
0x90: {  	(tm) =	ssettm $0x1  }
0x91: {  	s17 =	sld [smem:$0x3FFB];
	_ =	sdelay $0x3  }
0x92: {  	_ =	strace s17  }
0x93: {  	s2 =	sld [smem:$0x3FFC];
	_ =	sdelay $0x3  }
0x94: {  	_ =	strace s2  }
0x95: {  	s2 =	sld [smem:$0x3FFD];
	_ =	sdelay $0x3  }
0x96: {  	_ =	strace s2  }
0x97: {  	_ =	strace $0x8FFFFFFF  }
0x98: {  	s18 =	sld [smem:$0x3FDB];
	_ =	sdelay $0x1  }
0x99: {  	s19 =	simm.s32 $_scs_section_size  }
0x9a: {  	s4 =	simm.s32 $_size__tile_overlayer_lowered;
	s5 =	simm.s32 $_tile_overlayer_lowered  }
0x9b: {  	s22 =	simm.s32 $0x1BFF;
	s21 =	sshll.u32 s5, $0x1;
	s2 =	sadd.s32 s19, s18  }
0x9c: {  	s6 =	simm.s32 $0x0;
	s20 =	sshll.u32 s4, $0x1;
	s4 =	sadd.s32 s21, s2  }
0x9d: {  	[timem:s6], [sflag:s22] =	dma.local [hbm:s4], s20  }
0x9e: {  	_ =	swait.ge [sflag:s22], s20  }
0x9f: {  	s3 =	ssub.s32 $0x0, s20;
	[sflag:s22] =	ssyncset.done $0x0  }
0xa0: {  	[sflag:s22] =	ssyncadd.s32 s3;
	_ =	sdelay $0x1  }
0xa1: {  	s23 =	simm.s32 $0x1B8B  }
0xa2: {  	_ =	swait.ge [sflag:s23], $0x1  }
0xa3: {  	[sflag:s23] =	ssyncset.done $0x0  }
0xa4: {  	s25 =	simm.s32 $0x1B8E;
	s24 =	sld [smem:$0x3FFE];
	[sflag:s23] =	ssyncadd.s32 $0xFFFFFFFF  }
0xa5: {  	s26 =	simm.s32 $execute0_lowered;
	[smem:$0x3FD2] =	sst s25  }
0xa6: {  	s4 =	sshll.u32 s26, $0x1;
	_ =	strace $0x80000050;
	[dreg:$0x1] =	wrdreg $0xFFFFFFFF  }
0xa7: {  	s28 =	simm.s32 $_size_execute0_lowered;
	s2 =	sadd.s32 s2, s4;
	[dreg:$0x0] =	wrdreg $0x0  }
0xa8: {  	s4 =	sshll.u32 s28, $0x1;
	[dreg:$0x2] =	wrdreg s2  }
0xa9: {  	[dreg:$0x3] =	wrdreg s4  }
0xaa: {  	[dreg:$0x4] =	wrdreg $0xC0  }
0xab: {  	_ =	task [dreg:s6], $0x5FFFF  }
0xac: {  	[dreg:$0x1] =	wrdreg $0xFFFFFFFF  }
0xad: {  	[dreg:$0x0] =	wrdreg $0x60  }
0xae: {  	[dreg:$0x2] =	wrdreg s24  }
0xaf: {  	[dreg:$0x3] =	wrdreg $0x0  }
0xb0: {  	[dreg:$0x4] =	wrdreg $0x9  }
0xb1: {  	_ =	task.clear_ibuf [dreg:s6], $0x5FFFF;
	_ =	strace $0x90000050  }
0xb2: {  	s29 =	simm.s32 $0x9;
	_ =	strace $0x80000058  }
0xb3: {  	_ =	swait.ge [sflag:s29], $0x1  }
0xb4: {  	[sflag:s29] =	ssyncadd.s32 $0xFFFFFFFF  }
0xb5: {  	_ =	strace $0x90000058  }
0xb6: {  	_ =	sfence  }
0xb7: {  	s30 =	sld [smem:$0x0];
	_ =	sdelay $0x2  }
0xb8: {  	s31 =	sshll.u32 s1, $0xD;
	s1 =	sshrl.u32 s1, $0x2  }
0xb9: {  	s3 =	sand.u32 $0x4000, s31;
	s1 =	sadd.s32 s1, s30  }
0xba: {  	s0 =	sor.u32 s3, s0;
	s1 =	sshll.u32 s1, $0x11  }
0xbb: {  	s0 =	sor.u32 s1, s0  }
0xbc: {  	s0 =	sadd.s32 $0x8F2B, s0  }
0xbd: {  	[sflag:s0] =	ssyncadd.remote.s32 $0x1  }
0xbe: {  	_ =	sfence.sel $0xFFFF  }
0xbf: {  	[dreg:$0x0] =	wrdreg $0xFFFFFFFF;
	(pc) =	sbr.abs _section_cstart, $3  }
0xc0: {  	[dreg:$0x1] =	wrdreg $0xFFFFFFFF  }
0xc1: {  	_ =	task.clear_ibuf [dreg:s6], $0x2FFFF;
	_ =	strace $0x9FFFFFFF  }
0xc2: {  	(tm) =	ssettm $0x7FFFFFFF  }
0xc3: {  	_ =	shalt  }
tec
execute0_lowered:
.L_overlay_start_1:
0x0: {  	(tag) =	ssettag $0x1  }
0x1: {  	s0 =	rddreg [dreg:$0x0];
	s1 =	srdreg.scid  }
0x2: {  	s2 =	rddreg [dreg:$0x1];
	s23 =	stileid.u32  }
0x3: {  	s3 =	simm.s32 $0x0;
	s15 =	simm.s32 $0xC800;
	s18 =	simm.s32 $0x80  }
0x4: {  	s19 =	simm.s32 $0x5;
	s20 =	simm.s32 $0x1;
	s5 =	smul.u32 $0xC800, s23  }
0x5: {  	s6 =	sand.u32 $0x1, s1;
	[smem:$0x7FF] =	sst s3;
	s8 =	smul.u32 $0x32000, s23  }
0x6: {  	s4 =	smul.u32 $0xC8000, s6;
	_ =	strace $0x80000051;
	s24 =	sshll.u32 s6, $0x4  }
0x7: {  	s9 =	ssub.s32 $0x2, s6;
	s25 =	sshrl.u32 s8, $0x2;
	s10 =	sor.u32 s23, s24  }
0x8: {  	s26 =	sshrl.u32 s9, $0x1;
	s5 =	sadd.s32 s5, s4;
	s6 =	sadd.s32 s25, s2  }
0x9: {  	s4 =	sadd.s32 $0x3FBDC00, s0;
	s11 =	smul.u32 $0xC8, s10;
	s28 =	sadd.s32 $0x2800, s6  }
0xa: {  	s14 =	ssub.s32 s9, s26;
	s29 =	sadd.s32 $0x5000, s6;
	[dreg:$0x4] =	wrdreg s28  }
0xb: {  	s12 =	smul.u32 $0x64000, s10;
	s30 =	sadd.s32 $0x7800, s6;
	[dreg:$0x5] =	wrdreg s29  }
0xc: {  	s13 =	smul.u32 $0xC80, s10;
	s31 =	sadd.s32 $0xA000, s6;
	[dreg:$0x6] =	wrdreg s30  }
0xd: {  	s7 =	sshrl.u32 s5, $0x3;
	s5 =	sadd.s32 $0x3324C00, s0;
	[dreg:$0x7] =	wrdreg s31  }
0xe: {  	s14 =	smax.u32 s14, $0x1;
	s0 =	sadd.s32 s7, s0;
	[dreg:$0x3] =	wrdreg s11  }
0xf: {  	v0 =	vimm.f32 $0.0e+00;
	s11 =	sadd.s32 s4, s12;
	s12 =	sadd.s32 s5, s13;
	s13 =	sadd.s32 $0x333DC00, s0  }
.LBB2_1:
0x10: {  	s0 =	simm.s32 $0x0;
	s21 =	simm.s32 $0x200  }
.LBB2_2:
0x11: {  	p0 =	sne.s32 s21, $0xFE00;
	[tilespmem:s0+$0xC870] =	vst v0  }
0x12: {  	[tilespmem:s0+$0xC800] =	vst v0  }
0x13: {  	[tilespmem:s0+$0xC810] =	vst v0  }
.Ltmp0:
0x14: {  	[tilespmem:s0+$0xC820] =	vst v0;
	(pc) =	sbr.rel @p0 .LBB2_2-.Ltmp0, $4  }
0x15: {  	[tilespmem:s0+$0xC830] =	vst v0  }
0x16: {  	[tilespmem:s0+$0xC840] =	vst v0  }
0x17: {  	[tilespmem:s0+$0xC850] =	vst v0  }
0x18: {  	[tilespmem:s0+$0xC860] =	vst v0;
	s0 =	sshra.s32 s21, $0x2;
	s21 =	sadd.s32 $0x200, s21  }
0x19: {  	[tilespmem:s0+$0xC870] =	vst v0  }
0x1a: {  	[tilespmem:s0+$0xC800] =	vst v0  }
0x1b: {  	[tilespmem:s0+$0xC810] =	vst v0  }
0x1c: {  	[tilespmem:s0+$0xC820] =	vst v0  }
0x1d: {  	[tilespmem:s0+$0xC830] =	vst v0  }
0x1e: {  	[tilespmem:s0+$0xC840] =	vst v0  }
0x1f: {  	[tilespmem:s0+$0xC850] =	vst v0  }
0x20: {  	[tilespmem:s0+$0xC860] =	vst v0;
	s22 =	simm.s32 $0x1  }
0x21: {  	[spmem:s6] =	stream.linear.scatter [tilespmem:s15], [sflag:$0x1], $0x2800, $0x38;
	[tilespmem:$0x18900] =	vst v63  }
0x22: {  	_ =	swait.ge [sflag:s22], $0x2800  }
0x23: {  	[sflag:s22] =	ssyncset.done $0x0  }
0x24: {  	s8 =	rddreg [dreg:$0x4];
	[sflag:s22] =	ssyncadd.s32 $0xFFFFD800  }
0x25: {  	[spmem:s8] =	stream.linear.scatter [tilespmem:s15], [sflag:$0x1], $0x2800, $0x38;
	[tilespmem:$0x18900] =	vst v63  }
0x26: {  	_ =	swait.ge [sflag:s22], $0x2800  }
0x27: {  	[sflag:s22] =	ssyncset.done $0x0  }
0x28: {  	s9 =	rddreg [dreg:$0x5];
	[sflag:s22] =	ssyncadd.s32 $0xFFFFD800  }
0x29: {  	[spmem:s9] =	stream.linear.scatter [tilespmem:s15], [sflag:$0x1], $0x2800, $0x38;
	[tilespmem:$0x18900] =	vst v63  }
0x2a: {  	_ =	swait.ge [sflag:s22], $0x2800  }
0x2b: {  	[sflag:s22] =	ssyncset.done $0x0  }
0x2c: {  	s10 =	rddreg [dreg:$0x6];
	[sflag:s22] =	ssyncadd.s32 $0xFFFFD800  }
0x2d: {  	[spmem:s10] =	stream.linear.scatter [tilespmem:s15], [sflag:$0x1], $0x2800, $0x38;
	[tilespmem:$0x18900] =	vst v63  }
0x2e: {  	_ =	swait.ge [sflag:s22], $0x2800  }
0x2f: {  	[sflag:s22] =	ssyncset.done $0x0  }
0x30: {  	s16 =	rddreg [dreg:$0x7];
	[sflag:s22] =	ssyncadd.s32 $0xFFFFD800  }
0x31: {  	[spmem:s16] =	stream.linear.scatter [tilespmem:s15], [sflag:$0x1], $0x2800, $0x38;
	[tilespmem:$0x18900] =	vst v63  }
0x32: {  	_ =	swait.ge [sflag:s22], $0x2800  }
0x33: {  	[sflag:s22] =	ssyncset.done $0x0  }
0x34: {  	[sflag:s22] =	ssyncadd.s32 $0xFFFFD800  }
0x35: {  	[bflag:$0x0] =	sbarrier.arrive $0xFFFF  }
0x36: {  	s17 =	simm.s32 $0x0;
	s1 =	simm.s32 $0x10800;
	_ =	strace $0x80000052  }
0x37: {  	[tilespmem:s1], [sflag:$0x1] =	stream.linear.gather [hbm4b:s11+s17], $0x4000, $0x200038;
	[tilespmem:$0x18900] =	vst v63  }
0x38: {  	s25 =	simm.s32 $0x18800;
	s21 =	simm.s32 $0x1;
	p0 =	por $0x0, $0x0  }
0x39: {  	[tilespmem:s25], [sflag:$0x3] =	stream.linear.gather [hbm4b:s12+s17], $0x80, $0x200038;
	[tilespmem:$0x18900] =	vst v63  }
0x3a: {  	s21 =	simm.s32 @p0 $0x0;
	_ =	strace $0x90000052  }
0x3b: {  	p0 =	seq.s32 s21, $0x0;
	s23 =	rddreg [dreg:$0x3]  }
0x3c: {  	s24 =	sand.u32 @!p0 $0x1, s22;
	s29 =	simm.s32 @!p0 $0x0;
	s23 =	sadd.s32 @!p0 s23, s21  }
0x3d: {  	s26 =	sshll.u32 @!p0 s24, $0x7;
	s25 =	sshll.u32 @!p0 s24, $0xE;
	s28 =	sshll.u32 @!p0 s23, $0xB  }
0x3e: {  	s30 =	sadd.s32 @!p0 $0x1, s24;
	s25 =	sor.u32 @!p0 $0x10800, s25;
	s28 =	sand.u32 @!p0 $0x1FFFF800, s28  }
0x3f: {  	_ =	strace @!p0 $0x80000053;
	s23 =	sshll.u32 @!p0 s23, $0x4;
	s28 =	sadd.s32 @!p0 s4, s28  }
0x40: {  	[tilespmem:s25], [sflag:s30] =	stream.linear.gather @!p0 [hbm4b:s28+s29], $0x4000, $0x200038;
	[tilespmem:$0x18900] =	vst v63  }
0x41: {  	s24 =	sadd.s32 @!p0 $0x3, s24;
	s23 =	sand.u32 @!p0 $0x1FFFFFF0, s23;
	_ =	strace @!p0 $0x90000053  }
0x42: {  	s23 =	sadd.s32 @!p0 s5, s23;
	s25 =	sor.u32 @!p0 $0x18800, s26;
	_ =	strace @!p0 $0x80000054  }
0x43: {  	[tilespmem:s25], [sflag:s24] =	stream.linear.gather @!p0 [hbm4b:s23+s29], $0x80, $0x200038;
	[tilespmem:$0x18900] =	vst v63  }
0x44: {  	s0 =	sand.u32 $0x1, s17;
	_ =	strace @!p0 $0x90000054  }
0x45: {  	s7 =	simm.s32 $0x0;
	s26 =	sadd.s32 $0x1, s0;
	_ =	strace $0x80000055  }
0x46: {  	p1 =	sne.s32 s21, $0x0;
	s31 =	smov.u32 s21;
	_ =	swait.ge [sflag:s26], $0x4000  }
0x47: {  	s8 =	sadd.s32 $0x3, s0;
	s1 =	simm.s32 $0x0;
	[sflag:s26] =	ssyncset.done $0x0  }
0x48: {  	s0 =	simm.s32 @!p0 $0x2;
	s30 =	simm.s32 $0x1;
	[sflag:s26] =	ssyncadd.s32 $0xFFFFC000  }
0x49: {  	s30 =	simm.s32 @!p1 $0x0;
	s0 =	smov.u32 @p0 s22;
	_ =	strace $0x90000055  }
0x4a: {  	s22 =	sadd.s32 $0x0, s30;
	s24 =	sand.u32 $0x4000, s1;
	_ =	strace $0x80000056  }
0x4b: {  	s25 =	sand.u32 $0x80, s7;
	s29 =	simm.s32 $0xC5;
	_ =	swait.ge [sflag:s8], $0x80  }
0x4c: {  	s23 =	simm.s32 @!p0 $0x1;
	s30 =	sand.u32 $0x1, s22;
	[sflag:s8] =	ssyncset.done $0x0  }
0x4d: {  	s16 =	sshll.u32 s22, $0xE;
	s17 =	sshll.u32 s22, $0x7;
	[sflag:s8] =	ssyncadd.s32 $0xFFFFFF80  }
0x4e: {  	s23 =	simm.s32 @p0 $0x0;
	s9 =	sor.u32 $0x10800, s24;
	_ =	strace $0x90000056  }
0x4f: {  	s10 =	sor.u32 $0x18800, s25;
	s24 =	sand.u32 $0x4000, s16;
	_ =	strace $0x80000057  }
0x50: {  	[spmem:s2] =	stream.indirect.scatter.add.f32 [tilespmem:s9], [sflag:$0x5], $0x80, s10, s18, $0x2000b8;
	[tilespmem:$0x18900] =	vst v63  }
0x51: {  	s25 =	sand.u32 $0x80, s17;
	s28 =	sadd.s32 $0x1, s23;
	_ =	swait.ge [sflag:s19], $0x4000  }
0x52: {  	s23 =	smov.u32 s22;
	s26 =	sand.u32 $0x1, s22;
	[sflag:s19] =	ssyncset.done $0x0  }
.LBB2_4:
0x53: {  	s21 =	sadd.s32 $0x1, s21  }
0x54: {  	[sflag:s19] =	ssyncadd.s32 $0xFFFFC000;
	p1 =	seq.s32 s21, $0xC8  }
0x55: {  	_ =	strace $0x90000057;
	s21 =	simm.s32 @p1 $0x0  }
0x56: {  	s16 =	smov.u32 s0;
	s0 =	rddreg [dreg:$0x3];
	p2 =	seq.s32 s31, s21  }
0x57: {  	p1 =	sne.s32 s31, s21;
	s31 =	sadd.s32 $0x1, s30;
	s30 =	sand.u32 @!p2 $0x1, s16  }
0x58: {  	s17 =	sand.u32 @!p2 $0x1, s28;
	s0 =	sadd.s32 @!p2 s0, s21;
	s10 =	simm.s32 @!p2 $0x0  }
0x59: {  	_ =	strace @!p2 $0x80000053;
	s7 =	sshll.u32 @!p2 s30, $0xE;
	s9 =	sshll.u32 @!p2 s0, $0xB  }
0x5a: {  	s0 =	sshll.u32 @!p2 s0, $0x4;
	s30 =	sadd.s32 @!p2 $0x1, s30;
	s9 =	sand.u32 @!p2 $0x1FFFF800, s9  }
0x5b: {  	s7 =	sor.u32 @!p2 $0x10800, s7;
	s0 =	sand.u32 @!p2 $0x1FFFFFF0, s0;
	s9 =	sadd.s32 @!p2 s4, s9  }
0x5c: {  	[tilespmem:s7], [sflag:s30] =	stream.linear.gather @!p2 [hbm4b:s9+s10], $0x4000, $0x200038;
	[tilespmem:$0x18900] =	vst v63  }
0x5d: {  	s8 =	sshll.u32 @!p2 s17, $0x7;
	s0 =	sadd.s32 @!p2 s5, s0;
	_ =	strace @!p2 $0x90000053  }
0x5e: {  	s7 =	sor.u32 @!p2 $0x18800, s8;
	s8 =	sadd.s32 @!p2 $0x3, s17;
	_ =	strace @!p2 $0x80000054  }
0x5f: {  	[tilespmem:s7], [sflag:s8] =	stream.linear.gather @!p2 [hbm4b:s0+s10], $0x80, $0x200038;
	[tilespmem:$0x18900] =	vst v63  }
0x60: {  	_ =	strace @!p2 $0x90000054  }
0x61: {  	s1 =	simm.s32 @!p2 $0x1;
	_ =	strace $0x80000055  }
0x62: {  	s29 =	sadd.s32 $0xFFFFFFFF, s29;
	s1 =	simm.s32 @p2 $0x0;
	_ =	swait.ge [sflag:s31], $0x4000  }
0x63: {  	s28 =	sadd.s32 s28, s1;
	s1 =	simm.s32 $0x1;
	[sflag:s31] =	ssyncset.done $0x0  }
0x64: {  	p0 =	sne.s32 s29, $0x0;
	s1 =	simm.s32 @!p1 $0x0;
	[sflag:s31] =	ssyncadd.s32 $0xFFFFC000  }
0x65: {  	s22 =	sadd.s32 s1, s22;
	s23 =	sadd.s32 s1, s23;
	_ =	strace $0x90000055  }
0x66: {  	s17 =	sor.u32 $0x18800, s25;
	s10 =	sadd.s32 $0x3, s26;
	_ =	strace $0x80000056  }
0x67: {  	s30 =	sand.u32 $0x1, s22;
	s1 =	sand.u32 $0x1, s23;
	_ =	swait.ge [sflag:s10], $0x80  }
0x68: {  	s9 =	sshll.u32 s23, $0x7;
	s0 =	sadd.s32 @!p2 $0x1, s16;
	[sflag:s10] =	ssyncset.done $0x0  }
0x69: {  	s8 =	sshll.u32 s22, $0xE;
	s26 =	smov.u32 s1;
	[sflag:s10] =	ssyncadd.s32 $0xFFFFFF80  }
.Ltmp1:
0x6a: {  	s0 =	smov.u32 @p2 s16;
	_ =	strace $0x90000056;
	(pc) =	sbr.rel @p0 .LBB2_4-.Ltmp1, $4  }
0x6b: {  	s7 =	sand.u32 $0x4000, s8;
	s16 =	sor.u32 $0x10800, s24;
	_ =	strace $0x80000057  }
0x6c: {  	[spmem:s2] =	stream.indirect.scatter.add.f32 [tilespmem:s16], [sflag:$0x5], $0x80, s17, s18, $0x2000b8;
	[tilespmem:$0x18900] =	vst v63  }
0x6d: {  	s8 =	sand.u32 $0x80, s9;
	s24 =	smov.u32 s7;
	_ =	swait.ge [sflag:s19], $0x4000  }
0x6e: {  	s25 =	smov.u32 s8;
	s31 =	smov.u32 s21;
	[sflag:s19] =	ssyncset.done $0x0  }
0x6f: {  	s1 =	sadd.s32 $0x1, s21  }
0x70: {  	[sflag:s19] =	ssyncadd.s32 $0xFFFFC000;
	p0 =	seq.s32 s1, $0xC8  }
0x71: {  	_ =	strace $0x90000057;
	s1 =	simm.s32 @p0 $0x0  }
0x72: {  	s7 =	rddreg [dreg:$0x3];
	p0 =	seq.s32 s31, s1  }
0x73: {  	s0 =	sand.u32 @!p0 $0x1, s0;
	s7 =	sadd.s32 @!p0 s7, s1  }
0x74: {  	s10 =	simm.s32 @!p0 $0x0;
	_ =	strace @!p0 $0x80000053;
	s9 =	sshll.u32 @!p0 s7, $0xB  }
0x75: {  	s8 =	sshll.u32 @!p0 s0, $0xE;
	s0 =	sadd.s32 @!p0 $0x1, s0;
	s9 =	sand.u32 @!p0 $0x1FFFF800, s9  }
0x76: {  	s7 =	sshll.u32 @!p0 s7, $0x4;
	s8 =	sor.u32 @!p0 $0x10800, s8;
	s9 =	sadd.s32 @!p0 s4, s9  }
0x77: {  	[tilespmem:s8], [sflag:s0] =	stream.linear.gather @!p0 [hbm4b:s9+s10], $0x4000, $0x200038;
	[tilespmem:$0x18900] =	vst v63  }
0x78: {  	s7 =	sand.u32 @!p0 $0x1FFFFFF0, s7;
	s0 =	sand.u32 @!p0 $0x1, s28  }
0x79: {  	s7 =	sadd.s32 @!p0 s5, s7;
	s8 =	sshll.u32 @!p0 s0, $0x7;
	_ =	strace @!p0 $0x90000053  }
0x7a: {  	s0 =	sadd.s32 @!p0 $0x3, s0;
	s8 =	sor.u32 @!p0 $0x18800, s8;
	_ =	strace @!p0 $0x80000054  }
0x7b: {  	[tilespmem:s8], [sflag:s0] =	stream.linear.gather @!p0 [hbm4b:s7+s10], $0x80, $0x200038;
	[tilespmem:$0x18900] =	vst v63  }
0x7c: {  	_ =	strace @!p0 $0x90000054  }
0x7d: {  	s17 =	sadd.s32 $0x1, s30;
	_ =	strace $0x80000055  }
0x7e: {  	_ =	swait.ge [sflag:s17], $0x4000  }
0x7f: {  	[sflag:s17] =	ssyncset.done $0x0  }
0x80: {  	[sflag:s17] =	ssyncadd.s32 $0xFFFFC000  }
0x81: {  	_ =	strace $0x90000055  }
0x82: {  	s21 =	sadd.s32 $0x3, s26;
	_ =	strace $0x80000056  }
0x83: {  	_ =	swait.ge [sflag:s21], $0x80  }
0x84: {  	[sflag:s21] =	ssyncset.done $0x0  }
0x85: {  	[sflag:s21] =	ssyncadd.s32 $0xFFFFFF80  }
0x86: {  	_ =	strace $0x90000056  }
0x87: {  	s24 =	sor.u32 $0x10800, s24;
	s25 =	sor.u32 $0x18800, s25;
	_ =	strace $0x80000057  }
0x88: {  	[spmem:s2] =	stream.indirect.scatter.add.f32 [tilespmem:s24], [sflag:$0x5], $0x80, s25, s18, $0x2000b8;
	[tilespmem:$0x18900] =	vst v63  }
0x89: {  	s0 =	simm.s32 $0x1;
	p0 =	sne.s32 s31, s1;
	_ =	swait.ge [sflag:s19], $0x4000  }
0x8a: {  	s0 =	simm.s32 @!p0 $0x0;
	[sflag:s19] =	ssyncset.done $0x0  }
0x8b: {  	s26 =	sadd.s32 s0, s22;
	[sflag:s19] =	ssyncadd.s32 $0xFFFFC000  }
0x8c: {  	s28 =	sand.u32 $0x1, s26;
	_ =	strace $0x90000057  }
0x8d: {  	s7 =	sadd.s32 $0x1, s28;
	_ =	strace $0x80000055  }
0x8e: {  	_ =	swait.ge [sflag:s7], $0x4000  }
0x8f: {  	[sflag:s7] =	ssyncset.done $0x0  }
0x90: {  	s0 =	sadd.s32 s0, s23;
	[sflag:s7] =	ssyncadd.s32 $0xFFFFC000  }
0x91: {  	s29 =	sand.u32 $0x1, s0;
	_ =	strace $0x90000055  }
0x92: {  	s7 =	sadd.s32 $0x3, s29;
	_ =	strace $0x80000056  }
0x93: {  	_ =	swait.ge [sflag:s7], $0x80  }
0x94: {  	[sflag:s7] =	ssyncset.done $0x0  }
0x95: {  	s1 =	sshll.u32 s26, $0xE;
	s0 =	sshll.u32 s0, $0x7;
	[sflag:s7] =	ssyncadd.s32 $0xFFFFFF80  }
0x96: {  	s1 =	sand.u32 $0x4000, s1;
	s0 =	sand.u32 $0x80, s0;
	_ =	strace $0x90000056  }
0x97: {  	s1 =	sor.u32 $0x10800, s1;
	s0 =	sor.u32 $0x18800, s0;
	_ =	strace $0x80000057  }
0x98: {  	[spmem:s2] =	stream.indirect.scatter.add.f32 [tilespmem:s1], [sflag:$0x5], $0x80, s0, s18, $0x2000b8;
	[tilespmem:$0x18900] =	vst v63  }
0x99: {  	_ =	swait.ge [sflag:s19], $0x4000  }
0x9a: {  	s30 =	stileid.u32;
	[sflag:s19] =	ssyncset.done $0x0  }
0x9b: {  	s3 =	sadd.s32 $0x1, s3;
	s31 =	sshrl.u32 s6, $0x3;
	[sflag:s19] =	ssyncadd.s32 $0xFFFFC000  }
0x9c: {  	p0 =	sne.s32 s3, s14;
	s0 =	sshll.u32 s30, $0x6;
	_ =	strace $0x90000057  }
.Ltmp2:
0x9d: {  	s0 =	sor.u32 $0x1C01, s0;
	[bflag:$0x0] =	sbarrier.arrive $0xFFFF;
	(pc) =	sbr.rel @p0 .LBB2_1-.Ltmp2, $4  }
0x9e: {  	[hbm:s13], [sflag:s0] =	dma.local [spmem:s31], $0x1900  }
0x9f: {  	_ =	swait.ge [sflag:s20], $0x1900  }
0xa0: {  	[sflag:s20] =	ssyncset.done $0x0  }
0xa1: {  	[sflag:s20] =	ssyncadd.s32 $0xFFFFE700  }
0xa2: {  	_ =	sfence.sel $0x180000  }
0xa3: {  	[bflag:$0x0] =	sbarrier.arrive $0xFFFF  }
0xa4: {  	_ =	strace $0x90000051  }
0xa5: {  	s0 =	stileid.u32;
	[bflag:$0x2] =	sbarrier.arrive $0xFFFF  }
0xa6: {  	p0 =	sne.s32 s0, $0x0;
	s0 =	rddreg [dreg:$0x2]  }
0xa7: {  	s0 =	sadd.s32 @!p0 $0x100000, s0  }
0xa8: {  	[sflag:s0] =	ssyncadd.tile.s32 @!p0 $0x1;
	_ =	shalt  }
.Lfunc_end2:
_tile_overlayer_lowered:
.L_overlay_start_2:
0xa9: {  	(tag) =	ssettag $0x2  }
0xaa: {  	s0 =	rddreg [dreg:$0x0];
	s2 =	stileid.u32  }
0xab: {  	s1 =	rddreg [dreg:$0x1];
	p0 =	sne.s32 s2, $0x0  }
0xac: {  	s3 =	rddreg [dreg:$0x2];
	[bflag:$0x3] =	sbarrier.arrive $0xFFFF;
	s2 =	simm.s32 @!p0 $0x1C01  }
0xad: {  	[timem:s3], [sflag:s2] =	dma.local @!p0 [hbm:s0], s1  }
0xae: {  	s0 =	simm.s32 @!p0 $0x1  }
0xaf: {  	_ =	swait.ge @!p0 [sflag:s0], s1  }
0xb0: {  	s1 =	ssub.s32 @!p0 $0x0, s1;
	[sflag:s0] =	ssyncset.done @!p0 $0x0  }
0xb1: {  	[sflag:s0] =	ssyncadd.s32 @!p0 s1  }
0xb2: {  	[bflag:$0x3] =	sbarrier.arrive $0xFFFF  }
0xb3: {  	_ =	shalt  }

</sc_bundles>
